<compile_context>
chip_gen: v7x
topology: tpu7x:2x2x1
jax: 0.10.2.dev20260603
libtpu: 0.0.44.dev20260713+nightly
codegen_flags: <defaults>
</compile_context>

<pallas_src>
import jax
import jax.numpy as jnp
from jax import lax
from jax.experimental import pallas as pl
from jax.experimental.pallas import tpu as pltpu
from jax.experimental.pallas import tpu_sc as plsc

_NC = 2
_NS = 16
_NW = _NC * _NS
_E = 12

_B = 4096
_LU = 20
_LM = 50
_BPW = _B // _NW
_CHUNK = 128
_UC = (_B * _LU) // (_NW * _CHUNK)
_MC = (_B * _LM) // (_NW * _CHUNK)
_UW = _UC * _CHUNK
_MW = _MC * _CHUNK


def _sc_gather(uidx, midx, user_table, media_table):
  mesh = plsc.VectorSubcoreMesh(core_axis_name="c", subcore_axis_name="s")
  mhalf = _MC // 2

  def body(uidx_hbm, midx_hbm, ut_hbm, mt_hbm, ue_hbm, me_hbm,
           uidx_v, midx_v, urows_v, mrows_v, usem, msem):
    wid = lax.axis_index("s") * _NC + lax.axis_index("c")
    pltpu.sync_copy(uidx_hbm.at[wid], uidx_v)
    pltpu.sync_copy(midx_hbm.at[wid], midx_v)
    ue3 = ue_hbm
    me3 = me_hbm

    def fire_u(j, carry):
      pltpu.async_copy(ut_hbm.at[uidx_v.at[j]],
                       urows_v.at[pl.ds(j * _CHUNK, _CHUNK)], usem)
      return carry

    def wait_u(j, carry):
      pltpu.make_async_copy(ut_hbm.at[uidx_v.at[j]],
                            urows_v.at[pl.ds(j * _CHUNK, _CHUNK)], usem).wait()
      return carry

    def fire_m(p, j, carry):
      pltpu.async_copy(mt_hbm.at[midx_v.at[p * mhalf + j]],
                       mrows_v.at[pl.ds(j * _CHUNK, _CHUNK)], msem)
      return carry

    def wait_m(p, j, carry):
      pltpu.make_async_copy(mt_hbm.at[midx_v.at[p * mhalf + j]],
                            mrows_v.at[pl.ds(j * _CHUNK, _CHUNK)], msem).wait()
      return carry

    lax.fori_loop(0, _UC, fire_u, 0)
    lax.fori_loop(0, mhalf, lambda j, c: fire_m(0, j, c), 0)
    lax.fori_loop(0, _UC, wait_u, 0)
    pltpu.sync_copy(urows_v, ue3.at[wid])
    lax.fori_loop(0, mhalf, lambda j, c: wait_m(0, j, c), 0)
    pltpu.sync_copy(mrows_v, me3.at[wid * 2])
    lax.fori_loop(0, mhalf, lambda j, c: fire_m(1, j, c), 0)
    lax.fori_loop(0, mhalf, lambda j, c: wait_m(1, j, c), 0)
    pltpu.sync_copy(mrows_v, me3.at[wid * 2 + 1])

  f = pl.kernel(
      body,
      out_type=[
          jax.ShapeDtypeStruct((_NW, _UW, _E), jnp.float32),
          jax.ShapeDtypeStruct((_NW * 2, _MW // 2, _E), jnp.float32),
      ],
      mesh=mesh,
      scratch_types=[
          pltpu.VMEM((_UC, _CHUNK), jnp.int32),
          pltpu.VMEM((_MC, _CHUNK), jnp.int32),
          pltpu.VMEM((_UW, _E), jnp.float32),
          pltpu.VMEM((_MW // 2, _E), jnp.float32),
          pltpu.SemaphoreType.DMA,
          pltpu.SemaphoreType.DMA,
      ],
      compiler_params=pltpu.CompilerParams(use_tc_tiling_on_sc=False),
  )
  return f(uidx, midx, user_table, media_table)


_BBLK = 64


def _tc_body(ue_ref, me_ref, out_ref):
  acc = jax.lax.dot_general(
      ue_ref[...], me_ref[...], (((2,), (2,)), ((0,), (0,))),
      preferred_element_type=jnp.float32)
  out_ref[...] = 1.0 / (1.0 + jnp.exp(-acc))


def _tc_compute(ue, me):
  return pl.pallas_call(
      _tc_body,
      grid=(_B // _BBLK,),
      in_specs=[
          pl.BlockSpec((_BBLK, _LU, _E), lambda i: (i, 0, 0)),
          pl.BlockSpec((_BBLK, _LM, _E), lambda i: (i, 0, 0)),
      ],
      out_specs=pl.BlockSpec((_BBLK, _LU, _LM), lambda i: (i, 0, 0)),
      out_shape=jax.ShapeDtypeStruct((_B, _LU, _LM), jnp.float32),
  )(ue, me)


def kernel(user, media, user_table, media_table):
  uidx = user.astype(jnp.int32).reshape(_NW, _UC, _CHUNK)
  midx = media.astype(jnp.int32).reshape(_NW, _MC, _CHUNK)
  ue3, me3 = _sc_gather(uidx, midx, user_table, media_table)
  ue = ue3.reshape(_B, _LU, _E)
  me = me3.reshape(_B, _LM, _E)
  return _tc_compute(ue, me)

# --- scband reference (transcript-rebuilt; emitter-appended) ---
"""Pipeline reference for scband-vanilla-cf-25503515804362 (READ-ONLY COPY).

The authoritative reference and input builder live on the scoring server;
editing this copy changes nothing except your own understanding.
"""

import jax, jax.numpy as jnp
import numpy as np


def setup_inputs(seed: int = 0) -> dict:
    key = jax.random.key(seed)
    k1, k2, k3, k4 = jax.random.split(key, 4)
    user = jax.random.randint(k1, (4096, 20), 0, 154415, dtype=jnp.int64)
    media = jax.random.randint(k2, (4096, 50), 0, 56964, dtype=jnp.int64)
    user_table = jax.random.normal(k3, (154415, 12), dtype=jnp.float32)
    media_table = jax.random.normal(k4, (56964, 12), dtype=jnp.float32)
    return {"user": user, "media": media, "user_table": user_table, "media_table": media_table}


def reference(user, media, user_table, media_table):
    ue = jnp.take(user_table, user, axis=0)      # [B, Lu, E]
    me = jnp.take(media_table, media, axis=0)    # [B, Lm, E]
    logits = jnp.matmul(ue, jnp.swapaxes(me, 1, 2))  # [B, Lu, Lm]
    return jax.nn.sigmoid(logits)

if __name__ == "__main__":
    import jax
    _d = setup_inputs()
    print(jax.jit(kernel)(*tuple(_d.values())))

</pallas_src>

<mosaic_0001>
#map = affine_map<(d0, d1) -> (0, 0, 0)>
#map1 = affine_map<(d0, d1) -> (0, 0)>
module attributes {stable_mosaic.version = 14 : i64} {
  func.func @body(%arg0: i32, %arg1: i32, %arg2: memref<32x20x128xi32, #tpu.memory_space<hbm>>, %arg3: memref<32x50x128xi32, #tpu.memory_space<hbm>>, %arg4: memref<154415x12xf32, #tpu.memory_space<hbm>>, %arg5: memref<56964x12xf32, #tpu.memory_space<hbm>>, %arg6: memref<32x2560x12xf32, #tpu.memory_space<hbm>>, %arg7: memref<64x3200x12xf32, #tpu.memory_space<hbm>>, %arg8: memref<20x128xi32, #tpu.memory_space<vmem>>, %arg9: memref<50x128xi32, #tpu.memory_space<vmem>>, %arg10: memref<2560x12xf32, #tpu.memory_space<vmem>>, %arg11: memref<3200x12xf32, #tpu.memory_space<vmem>>, %arg12: memref<!tpu.dma_semaphore, #tpu.memory_space<semaphore_mem>>, %arg13: memref<!tpu.dma_semaphore, #tpu.memory_space<semaphore_mem>>) attributes {dimension_semantics = [#tpu.dimension_semantics<core_parallel>, #tpu.dimension_semantics<subcore_parallel>], iteration_bounds = array<i64: 2, 16>, scalar_prefetch = 0 : i64, scratch_operands = 6 : i64, tpu.core_type = #tpu.core_type<sc_vector_subcore>, window_params = [{transform_indices = #map}, {transform_indices = #map}, {transform_indices = #map1}, {transform_indices = #map1}, {transform_indices = #map}, {transform_indices = #map}]} {
    %mul3A = arith.constant 2 : i32
    %mul3A_0 = arith.muli %arg1, %mul3A : i32
    %add3A = arith.addi %mul3A_0, %arg0 : i32
    "tpu.region"() ({
      %run_scoped3A = tpu.sem_alloc : memref<!tpu.dma_semaphore, #tpu.memory_space<semaphore_mem>>
      %dma_start3A = arith.constant 0 : i32
      %dma_start3A_42 = arith.constant 0 : i32
      %dma_start3A_43 = tpu.memref_slice %arg2[%add3A, %dma_start3A, %dma_start3A_42] : memref<32x20x128xi32, #tpu.memory_space<hbm>> -> memref<1x20x128xi32, #tpu.memory_space<hbm>>
      %dma_start3A_44 = tpu.memref_squeeze %dma_start3A_43 : memref<1x20x128xi32, #tpu.memory_space<hbm>> -> memref<20x128xi32, #tpu.memory_space<hbm>>
      %dma_start3A_45 = arith.constant 0 : i32
      %dma_start3A_46 = arith.constant 0 : i32
      %dma_start3A_47 = tpu.memref_slice %arg2[%add3A, %dma_start3A_45, %dma_start3A_46] : memref<32x20x128xi32, #tpu.memory_space<hbm>> -> memref<1x20x128xi32, #tpu.memory_space<hbm>>
      %dma_start3A_48 = tpu.memref_squeeze %dma_start3A_47 : memref<1x20x128xi32, #tpu.memory_space<hbm>> -> memref<20x128xi32, #tpu.memory_space<hbm>>
      tpu.enqueue_dma source(%dma_start3A_48 : memref<20x128xi32, #tpu.memory_space<hbm>>) target(%arg8 : memref<20x128xi32, #tpu.memory_space<vmem>>) target_semaphore(%run_scoped3A : memref<!tpu.dma_semaphore, #tpu.memory_space<semaphore_mem>>)
      %dma_wait3A = arith.constant 0 : i32
      %dma_wait3A_49 = arith.constant 0 : i32
      %dma_wait3A_50 = tpu.memref_slice %arg2[%add3A, %dma_wait3A, %dma_wait3A_49] : memref<32x20x128xi32, #tpu.memory_space<hbm>> -> memref<1x20x128xi32, #tpu.memory_space<hbm>>
      %dma_wait3A_51 = tpu.memref_squeeze %dma_wait3A_50 : memref<1x20x128xi32, #tpu.memory_space<hbm>> -> memref<20x128xi32, #tpu.memory_space<hbm>>
      %dma_wait3A_52 = arith.constant 0 : i32
      %dma_wait3A_53 = arith.constant 0 : i32
      %dma_wait3A_54 = tpu.memref_slice %arg2[%add3A, %dma_wait3A_52, %dma_wait3A_53] : memref<32x20x128xi32, #tpu.memory_space<hbm>> -> memref<1x20x128xi32, #tpu.memory_space<hbm>>
      %dma_wait3A_55 = tpu.memref_squeeze %dma_wait3A_54 : memref<1x20x128xi32, #tpu.memory_space<hbm>> -> memref<20x128xi32, #tpu.memory_space<hbm>>
      tpu.wait_dma2 semaphore(%run_scoped3A : memref<!tpu.dma_semaphore, #tpu.memory_space<semaphore_mem>>) src(%dma_wait3A_55 : memref<20x128xi32, #tpu.memory_space<hbm>>) dst(%arg8 : memref<20x128xi32, #tpu.memory_space<vmem>>)
      tpu.yield
    }) : () -> ()
    "tpu.region"() ({
      %run_scoped3A = tpu.sem_alloc : memref<!tpu.dma_semaphore, #tpu.memory_space<semaphore_mem>>
      %dma_start3A = arith.constant 0 : i32
      %dma_start3A_42 = arith.constant 0 : i32
      %dma_start3A_43 = tpu.memref_slice %arg3[%add3A, %dma_start3A, %dma_start3A_42] : memref<32x50x128xi32, #tpu.memory_space<hbm>> -> memref<1x50x128xi32, #tpu.memory_space<hbm>>
      %dma_start3A_44 = tpu.memref_squeeze %dma_start3A_43 : memref<1x50x128xi32, #tpu.memory_space<hbm>> -> memref<50x128xi32, #tpu.memory_space<hbm>>
      %dma_start3A_45 = arith.constant 0 : i32
      %dma_start3A_46 = arith.constant 0 : i32
      %dma_start3A_47 = tpu.memref_slice %arg3[%add3A, %dma_start3A_45, %dma_start3A_46] : memref<32x50x128xi32, #tpu.memory_space<hbm>> -> memref<1x50x128xi32, #tpu.memory_space<hbm>>
      %dma_start3A_48 = tpu.memref_squeeze %dma_start3A_47 : memref<1x50x128xi32, #tpu.memory_space<hbm>> -> memref<50x128xi32, #tpu.memory_space<hbm>>
      tpu.enqueue_dma source(%dma_start3A_48 : memref<50x128xi32, #tpu.memory_space<hbm>>) target(%arg9 : memref<50x128xi32, #tpu.memory_space<vmem>>) target_semaphore(%run_scoped3A : memref<!tpu.dma_semaphore, #tpu.memory_space<semaphore_mem>>)
      %dma_wait3A = arith.constant 0 : i32
      %dma_wait3A_49 = arith.constant 0 : i32
      %dma_wait3A_50 = tpu.memref_slice %arg3[%add3A, %dma_wait3A, %dma_wait3A_49] : memref<32x50x128xi32, #tpu.memory_space<hbm>> -> memref<1x50x128xi32, #tpu.memory_space<hbm>>
      %dma_wait3A_51 = tpu.memref_squeeze %dma_wait3A_50 : memref<1x50x128xi32, #tpu.memory_space<hbm>> -> memref<50x128xi32, #tpu.memory_space<hbm>>
      %dma_wait3A_52 = arith.constant 0 : i32
      %dma_wait3A_53 = arith.constant 0 : i32
      %dma_wait3A_54 = tpu.memref_slice %arg3[%add3A, %dma_wait3A_52, %dma_wait3A_53] : memref<32x50x128xi32, #tpu.memory_space<hbm>> -> memref<1x50x128xi32, #tpu.memory_space<hbm>>
      %dma_wait3A_55 = tpu.memref_squeeze %dma_wait3A_54 : memref<1x50x128xi32, #tpu.memory_space<hbm>> -> memref<50x128xi32, #tpu.memory_space<hbm>>
      tpu.wait_dma2 semaphore(%run_scoped3A : memref<!tpu.dma_semaphore, #tpu.memory_space<semaphore_mem>>) src(%dma_wait3A_55 : memref<50x128xi32, #tpu.memory_space<hbm>>) dst(%arg9 : memref<50x128xi32, #tpu.memory_space<vmem>>)
      tpu.yield
    }) : () -> ()
    %scan3A = arith.constant 0 : i32
    %scan3A_1 = arith.constant 0 : i32
    %scan3A_2 = arith.constant 20 : i32
    %scan3A_3 = arith.addi %scan3A_1, %scan3A_2 : i32
    %scan3A_4 = arith.constant 1 : i32
    scf.for %scan3A_42 = %scan3A_1 to %scan3A_3 step %scan3A_4  : i32 {
      %mul3A_43 = arith.constant 128 : i32
      %mul3A_44 = arith.muli %scan3A_42, %mul3A_43 : i32
      %dma_start3A = arith.constant 0 : i32
      %dma_start3A_45 = tpu.memref_slice %arg10[%mul3A_44, %dma_start3A] : memref<2560x12xf32, #tpu.memory_space<vmem>> -> memref<128x12xf32, #tpu.memory_space<vmem>>
      %dma_start3A_46 = arith.constant 0 : i32
      %dma_start3A_47 = tpu.memref_slice %arg8[%scan3A_42, %dma_start3A_46] : memref<20x128xi32, #tpu.memory_space<vmem>> -> memref<1x128xi32, #tpu.memory_space<vmem>>
      %dma_start3A_48 = tpu.memref_squeeze %dma_start3A_47 : memref<1x128xi32, #tpu.memory_space<vmem>> -> memref<128xi32, #tpu.memory_space<vmem>>
      %dma_start3A_49 = arith.constant 0 : i32
      %dma_start3A_50 = arith.constant 0 : i32
      %dma_start3A_51 = tpu.memref_slice %arg4[%dma_start3A_49, %dma_start3A_50] : memref<154415x12xf32, #tpu.memory_space<hbm>> -> memref<154415x12xf32, #tpu.memory_space<hbm>>
      tpu.enqueue_indirect_dma source(%dma_start3A_51 : memref<154415x12xf32, #tpu.memory_space<hbm>>) target(%dma_start3A_45 : memref<128x12xf32, #tpu.memory_space<vmem>>) offsets(%dma_start3A_48 : memref<128xi32, #tpu.memory_space<vmem>>) semaphore(%arg12 : memref<!tpu.dma_semaphore, #tpu.memory_space<semaphore_mem>>)
    }
    %scan3A_5 = arith.constant 20 : i32
    %scan3A_6 = arith.constant 0 : i32
    %scan3A_7 = arith.constant 0 : i32
    %scan3A_8 = arith.constant 25 : i32
    %scan3A_9 = arith.addi %scan3A_7, %scan3A_8 : i32
    %scan3A_10 = arith.constant 1 : i32
    scf.for %scan3A_42 = %scan3A_7 to %scan3A_9 step %scan3A_10  : i32 {
      %add3A_43 = arith.constant 0 : i32
      %add3A_44 = arith.addi %add3A_43, %scan3A_42 : i32
      %mul3A_45 = arith.constant 128 : i32
      %mul3A_46 = arith.muli %scan3A_42, %mul3A_45 : i32
      %dma_start3A = arith.constant 0 : i32
      %dma_start3A_47 = tpu.memref_slice %arg11[%mul3A_46, %dma_start3A] : memref<3200x12xf32, #tpu.memory_space<vmem>> -> memref<128x12xf32, #tpu.memory_space<vmem>>
      %dma_start3A_48 = arith.constant 0 : i32
      %dma_start3A_49 = tpu.memref_slice %arg9[%add3A_44, %dma_start3A_48] : memref<50x128xi32, #tpu.memory_space<vmem>> -> memref<1x128xi32, #tpu.memory_space<vmem>>
      %dma_start3A_50 = tpu.memref_squeeze %dma_start3A_49 : memref<1x128xi32, #tpu.memory_space<vmem>> -> memref<128xi32, #tpu.memory_space<vmem>>
      %dma_start3A_51 = arith.constant 0 : i32
      %dma_start3A_52 = arith.constant 0 : i32
      %dma_start3A_53 = tpu.memref_slice %arg5[%dma_start3A_51, %dma_start3A_52] : memref<56964x12xf32, #tpu.memory_space<hbm>> -> memref<56964x12xf32, #tpu.memory_space<hbm>>
      tpu.enqueue_indirect_dma source(%dma_start3A_53 : memref<56964x12xf32, #tpu.memory_space<hbm>>) target(%dma_start3A_47 : memref<128x12xf32, #tpu.memory_space<vmem>>) offsets(%dma_start3A_50 : memref<128xi32, #tpu.memory_space<vmem>>) semaphore(%arg13 : memref<!tpu.dma_semaphore, #tpu.memory_space<semaphore_mem>>)
    }
    %scan3A_11 = arith.constant 25 : i32
    %scan3A_12 = arith.constant 0 : i32
    %scan3A_13 = arith.constant 0 : i32
    %scan3A_14 = arith.constant 20 : i32
    %scan3A_15 = arith.addi %scan3A_13, %scan3A_14 : i32
    %scan3A_16 = arith.constant 1 : i32
    scf.for %scan3A_42 = %scan3A_13 to %scan3A_15 step %scan3A_16  : i32 {
      %mul3A_43 = arith.constant 128 : i32
      %mul3A_44 = arith.muli %scan3A_42, %mul3A_43 : i32
      %dma_wait3A = arith.constant 0 : i32
      %dma_wait3A_45 = tpu.memref_slice %arg10[%mul3A_44, %dma_wait3A] : memref<2560x12xf32, #tpu.memory_space<vmem>> -> memref<128x12xf32, #tpu.memory_space<vmem>>
      %dma_wait3A_46 = arith.constant 0 : i32
      %dma_wait3A_47 = tpu.memref_slice %arg8[%scan3A_42, %dma_wait3A_46] : memref<20x128xi32, #tpu.memory_space<vmem>> -> memref<1x128xi32, #tpu.memory_space<vmem>>
      %dma_wait3A_48 = tpu.memref_squeeze %dma_wait3A_47 : memref<1x128xi32, #tpu.memory_space<vmem>> -> memref<128xi32, #tpu.memory_space<vmem>>
      %dma_wait3A_49 = arith.constant 0 : i32
      %dma_wait3A_50 = arith.constant 0 : i32
      %dma_wait3A_51 = tpu.memref_slice %arg4[%dma_wait3A_49, %dma_wait3A_50] : memref<154415x12xf32, #tpu.memory_space<hbm>> -> memref<154415x12xf32, #tpu.memory_space<hbm>>
      tpu.wait_indirect_dma semaphore(%arg12 : memref<!tpu.dma_semaphore, #tpu.memory_space<semaphore_mem>>) src(%dma_wait3A_51 : memref<154415x12xf32, #tpu.memory_space<hbm>>) dst(%dma_wait3A_45 : memref<128x12xf32, #tpu.memory_space<vmem>>)
    }
    %scan3A_17 = arith.constant 20 : i32
    "tpu.region"() ({
      %run_scoped3A = tpu.sem_alloc : memref<!tpu.dma_semaphore, #tpu.memory_space<semaphore_mem>>
      %dma_start3A = arith.constant 0 : i32
      %dma_start3A_42 = arith.constant 0 : i32
      %dma_start3A_43 = tpu.memref_slice %arg6[%add3A, %dma_start3A, %dma_start3A_42] : memref<32x2560x12xf32, #tpu.memory_space<hbm>> -> memref<1x2560x12xf32, #tpu.memory_space<hbm>>
      %dma_start3A_44 = tpu.memref_squeeze %dma_start3A_43 : memref<1x2560x12xf32, #tpu.memory_space<hbm>> -> memref<2560x12xf32, #tpu.memory_space<hbm>>
      %dma_start3A_45 = arith.constant 0 : i32
      %dma_start3A_46 = arith.constant 0 : i32
      %dma_start3A_47 = tpu.memref_slice %arg6[%add3A, %dma_start3A_45, %dma_start3A_46] : memref<32x2560x12xf32, #tpu.memory_space<hbm>> -> memref<1x2560x12xf32, #tpu.memory_space<hbm>>
      %dma_start3A_48 = tpu.memref_squeeze %dma_start3A_47 : memref<1x2560x12xf32, #tpu.memory_space<hbm>> -> memref<2560x12xf32, #tpu.memory_space<hbm>>
      tpu.enqueue_dma source(%arg10 : memref<2560x12xf32, #tpu.memory_space<vmem>>) target(%dma_start3A_48 : memref<2560x12xf32, #tpu.memory_space<hbm>>) target_semaphore(%run_scoped3A : memref<!tpu.dma_semaphore, #tpu.memory_space<semaphore_mem>>)
      %dma_wait3A = arith.constant 0 : i32
      %dma_wait3A_49 = arith.constant 0 : i32
      %dma_wait3A_50 = tpu.memref_slice %arg6[%add3A, %dma_wait3A, %dma_wait3A_49] : memref<32x2560x12xf32, #tpu.memory_space<hbm>> -> memref<1x2560x12xf32, #tpu.memory_space<hbm>>
      %dma_wait3A_51 = tpu.memref_squeeze %dma_wait3A_50 : memref<1x2560x12xf32, #tpu.memory_space<hbm>> -> memref<2560x12xf32, #tpu.memory_space<hbm>>
      %dma_wait3A_52 = arith.constant 0 : i32
      %dma_wait3A_53 = arith.constant 0 : i32
      %dma_wait3A_54 = tpu.memref_slice %arg6[%add3A, %dma_wait3A_52, %dma_wait3A_53] : memref<32x2560x12xf32, #tpu.memory_space<hbm>> -> memref<1x2560x12xf32, #tpu.memory_space<hbm>>
      %dma_wait3A_55 = tpu.memref_squeeze %dma_wait3A_54 : memref<1x2560x12xf32, #tpu.memory_space<hbm>> -> memref<2560x12xf32, #tpu.memory_space<hbm>>
      tpu.wait_dma2 semaphore(%run_scoped3A : memref<!tpu.dma_semaphore, #tpu.memory_space<semaphore_mem>>) src(%arg10 : memref<2560x12xf32, #tpu.memory_space<vmem>>) dst(%dma_wait3A_55 : memref<2560x12xf32, #tpu.memory_space<hbm>>)
      tpu.yield
    }) : () -> ()
    %scan3A_18 = arith.constant 0 : i32
    %scan3A_19 = arith.constant 0 : i32
    %scan3A_20 = arith.constant 25 : i32
    %scan3A_21 = arith.addi %scan3A_19, %scan3A_20 : i32
    %scan3A_22 = arith.constant 1 : i32
    scf.for %scan3A_42 = %scan3A_19 to %scan3A_21 step %scan3A_22  : i32 {
      %add3A_43 = arith.constant 0 : i32
      %add3A_44 = arith.addi %add3A_43, %scan3A_42 : i32
      %mul3A_45 = arith.constant 128 : i32
      %mul3A_46 = arith.muli %scan3A_42, %mul3A_45 : i32
      %dma_wait3A = arith.constant 0 : i32
      %dma_wait3A_47 = tpu.memref_slice %arg11[%mul3A_46, %dma_wait3A] : memref<3200x12xf32, #tpu.memory_space<vmem>> -> memref<128x12xf32, #tpu.memory_space<vmem>>
      %dma_wait3A_48 = arith.constant 0 : i32
      %dma_wait3A_49 = tpu.memref_slice %arg9[%add3A_44, %dma_wait3A_48] : memref<50x128xi32, #tpu.memory_space<vmem>> -> memref<1x128xi32, #tpu.memory_space<vmem>>
      %dma_wait3A_50 = tpu.memref_squeeze %dma_wait3A_49 : memref<1x128xi32, #tpu.memory_space<vmem>> -> memref<128xi32, #tpu.memory_space<vmem>>
      %dma_wait3A_51 = arith.constant 0 : i32
      %dma_wait3A_52 = arith.constant 0 : i32
      %dma_wait3A_53 = tpu.memref_slice %arg5[%dma_wait3A_51, %dma_wait3A_52] : memref<56964x12xf32, #tpu.memory_space<hbm>> -> memref<56964x12xf32, #tpu.memory_space<hbm>>
      tpu.wait_indirect_dma semaphore(%arg13 : memref<!tpu.dma_semaphore, #tpu.memory_space<semaphore_mem>>) src(%dma_wait3A_53 : memref<56964x12xf32, #tpu.memory_space<hbm>>) dst(%dma_wait3A_47 : memref<128x12xf32, #tpu.memory_space<vmem>>)
    }
    %scan3A_23 = arith.constant 25 : i32
    %mul3A_24 = arith.constant 2 : i32
    %mul3A_25 = arith.muli %add3A, %mul3A_24 : i32
    "tpu.region"() ({
      %run_scoped3A = tpu.sem_alloc : memref<!tpu.dma_semaphore, #tpu.memory_space<semaphore_mem>>
      %dma_start3A = arith.constant 0 : i32
      %dma_start3A_42 = arith.constant 0 : i32
      %dma_start3A_43 = tpu.memref_slice %arg7[%mul3A_25, %dma_start3A, %dma_start3A_42] : memref<64x3200x12xf32, #tpu.memory_space<hbm>> -> memref<1x3200x12xf32, #tpu.memory_space<hbm>>
      %dma_start3A_44 = tpu.memref_squeeze %dma_start3A_43 : memref<1x3200x12xf32, #tpu.memory_space<hbm>> -> memref<3200x12xf32, #tpu.memory_space<hbm>>
      %dma_start3A_45 = arith.constant 0 : i32
      %dma_start3A_46 = arith.constant 0 : i32
      %dma_start3A_47 = tpu.memref_slice %arg7[%mul3A_25, %dma_start3A_45, %dma_start3A_46] : memref<64x3200x12xf32, #tpu.memory_space<hbm>> -> memref<1x3200x12xf32, #tpu.memory_space<hbm>>
      %dma_start3A_48 = tpu.memref_squeeze %dma_start3A_47 : memref<1x3200x12xf32, #tpu.memory_space<hbm>> -> memref<3200x12xf32, #tpu.memory_space<hbm>>
      tpu.enqueue_dma source(%arg11 : memref<3200x12xf32, #tpu.memory_space<vmem>>) target(%dma_start3A_48 : memref<3200x12xf32, #tpu.memory_space<hbm>>) target_semaphore(%run_scoped3A : memref<!tpu.dma_semaphore, #tpu.memory_space<semaphore_mem>>)
      %dma_wait3A = arith.constant 0 : i32
      %dma_wait3A_49 = arith.constant 0 : i32
      %dma_wait3A_50 = tpu.memref_slice %arg7[%mul3A_25, %dma_wait3A, %dma_wait3A_49] : memref<64x3200x12xf32, #tpu.memory_space<hbm>> -> memref<1x3200x12xf32, #tpu.memory_space<hbm>>
      %dma_wait3A_51 = tpu.memref_squeeze %dma_wait3A_50 : memref<1x3200x12xf32, #tpu.memory_space<hbm>> -> memref<3200x12xf32, #tpu.memory_space<hbm>>
      %dma_wait3A_52 = arith.constant 0 : i32
      %dma_wait3A_53 = arith.constant 0 : i32
      %dma_wait3A_54 = tpu.memref_slice %arg7[%mul3A_25, %dma_wait3A_52, %dma_wait3A_53] : memref<64x3200x12xf32, #tpu.memory_space<hbm>> -> memref<1x3200x12xf32, #tpu.memory_space<hbm>>
      %dma_wait3A_55 = tpu.memref_squeeze %dma_wait3A_54 : memref<1x3200x12xf32, #tpu.memory_space<hbm>> -> memref<3200x12xf32, #tpu.memory_space<hbm>>
      tpu.wait_dma2 semaphore(%run_scoped3A : memref<!tpu.dma_semaphore, #tpu.memory_space<semaphore_mem>>) src(%arg11 : memref<3200x12xf32, #tpu.memory_space<vmem>>) dst(%dma_wait3A_55 : memref<3200x12xf32, #tpu.memory_space<hbm>>)
      tpu.yield
    }) : () -> ()
    %scan3A_26 = arith.constant 0 : i32
    %scan3A_27 = arith.constant 0 : i32
    %scan3A_28 = arith.constant 25 : i32
    %scan3A_29 = arith.addi %scan3A_27, %scan3A_28 : i32
    %scan3A_30 = arith.constant 1 : i32
    scf.for %scan3A_42 = %scan3A_27 to %scan3A_29 step %scan3A_30  : i32 {
      %add3A_43 = arith.constant 25 : i32
      %add3A_44 = arith.addi %add3A_43, %scan3A_42 : i32
      %mul3A_45 = arith.constant 128 : i32
      %mul3A_46 = arith.muli %scan3A_42, %mul3A_45 : i32
      %dma_start3A = arith.constant 0 : i32
      %dma_start3A_47 = tpu.memref_slice %arg11[%mul3A_46, %dma_start3A] : memref<3200x12xf32, #tpu.memory_space<vmem>> -> memref<128x12xf32, #tpu.memory_space<vmem>>
      %dma_start3A_48 = arith.constant 0 : i32
      %dma_start3A_49 = tpu.memref_slice %arg9[%add3A_44, %dma_start3A_48] : memref<50x128xi32, #tpu.memory_space<vmem>> -> memref<1x128xi32, #tpu.memory_space<vmem>>
      %dma_start3A_50 = tpu.memref_squeeze %dma_start3A_49 : memref<1x128xi32, #tpu.memory_space<vmem>> -> memref<128xi32, #tpu.memory_space<vmem>>
      %dma_start3A_51 = arith.constant 0 : i32
      %dma_start3A_52 = arith.constant 0 : i32
      %dma_start3A_53 = tpu.memref_slice %arg5[%dma_start3A_51, %dma_start3A_52] : memref<56964x12xf32, #tpu.memory_space<hbm>> -> memref<56964x12xf32, #tpu.memory_space<hbm>>
      tpu.enqueue_indirect_dma source(%dma_start3A_53 : memref<56964x12xf32, #tpu.memory_space<hbm>>) target(%dma_start3A_47 : memref<128x12xf32, #tpu.memory_space<vmem>>) offsets(%dma_start3A_50 : memref<128xi32, #tpu.memory_space<vmem>>) semaphore(%arg13 : memref<!tpu.dma_semaphore, #tpu.memory_space<semaphore_mem>>)
    }
    %scan3A_31 = arith.constant 25 : i32
    %scan3A_32 = arith.constant 0 : i32
    %scan3A_33 = arith.constant 0 : i32
    %scan3A_34 = arith.constant 25 : i32
    %scan3A_35 = arith.addi %scan3A_33, %scan3A_34 : i32
    %scan3A_36 = arith.constant 1 : i32
    scf.for %scan3A_42 = %scan3A_33 to %scan3A_35 step %scan3A_36  : i32 {
      %add3A_43 = arith.constant 25 : i32
      %add3A_44 = arith.addi %add3A_43, %scan3A_42 : i32
      %mul3A_45 = arith.constant 128 : i32
      %mul3A_46 = arith.muli %scan3A_42, %mul3A_45 : i32
      %dma_wait3A = arith.constant 0 : i32
      %dma_wait3A_47 = tpu.memref_slice %arg11[%mul3A_46, %dma_wait3A] : memref<3200x12xf32, #tpu.memory_space<vmem>> -> memref<128x12xf32, #tpu.memory_space<vmem>>
      %dma_wait3A_48 = arith.constant 0 : i32
      %dma_wait3A_49 = tpu.memref_slice %arg9[%add3A_44, %dma_wait3A_48] : memref<50x128xi32, #tpu.memory_space<vmem>> -> memref<1x128xi32, #tpu.memory_space<vmem>>
      %dma_wait3A_50 = tpu.memref_squeeze %dma_wait3A_49 : memref<1x128xi32, #tpu.memory_space<vmem>> -> memref<128xi32, #tpu.memory_space<vmem>>
      %dma_wait3A_51 = arith.constant 0 : i32
      %dma_wait3A_52 = arith.constant 0 : i32
      %dma_wait3A_53 = tpu.memref_slice %arg5[%dma_wait3A_51, %dma_wait3A_52] : memref<56964x12xf32, #tpu.memory_space<hbm>> -> memref<56964x12xf32, #tpu.memory_space<hbm>>
      tpu.wait_indirect_dma semaphore(%arg13 : memref<!tpu.dma_semaphore, #tpu.memory_space<semaphore_mem>>) src(%dma_wait3A_53 : memref<56964x12xf32, #tpu.memory_space<hbm>>) dst(%dma_wait3A_47 : memref<128x12xf32, #tpu.memory_space<vmem>>)
    }
    %scan3A_37 = arith.constant 25 : i32
    %mul3A_38 = arith.constant 2 : i32
    %mul3A_39 = arith.muli %add3A, %mul3A_38 : i32
    %add3A_40 = arith.constant 1 : i32
    %add3A_41 = arith.addi %mul3A_39, %add3A_40 : i32
    "tpu.region"() ({
      %run_scoped3A = tpu.sem_alloc : memref<!tpu.dma_semaphore, #tpu.memory_space<semaphore_mem>>
      %dma_start3A = arith.constant 0 : i32
      %dma_start3A_42 = arith.constant 0 : i32
      %dma_start3A_43 = tpu.memref_slice %arg7[%add3A_41, %dma_start3A, %dma_start3A_42] : memref<64x3200x12xf32, #tpu.memory_space<hbm>> -> memref<1x3200x12xf32, #tpu.memory_space<hbm>>
      %dma_start3A_44 = tpu.memref_squeeze %dma_start3A_43 : memref<1x3200x12xf32, #tpu.memory_space<hbm>> -> memref<3200x12xf32, #tpu.memory_space<hbm>>
      %dma_start3A_45 = arith.constant 0 : i32
      %dma_start3A_46 = arith.constant 0 : i32
      %dma_start3A_47 = tpu.memref_slice %arg7[%add3A_41, %dma_start3A_45, %dma_start3A_46] : memref<64x3200x12xf32, #tpu.memory_space<hbm>> -> memref<1x3200x12xf32, #tpu.memory_space<hbm>>
      %dma_start3A_48 = tpu.memref_squeeze %dma_start3A_47 : memref<1x3200x12xf32, #tpu.memory_space<hbm>> -> memref<3200x12xf32, #tpu.memory_space<hbm>>
      tpu.enqueue_dma source(%arg11 : memref<3200x12xf32, #tpu.memory_space<vmem>>) target(%dma_start3A_48 : memref<3200x12xf32, #tpu.memory_space<hbm>>) target_semaphore(%run_scoped3A : memref<!tpu.dma_semaphore, #tpu.memory_space<semaphore_mem>>)
      %dma_wait3A = arith.constant 0 : i32
      %dma_wait3A_49 = arith.constant 0 : i32
      %dma_wait3A_50 = tpu.memref_slice %arg7[%add3A_41, %dma_wait3A, %dma_wait3A_49] : memref<64x3200x12xf32, #tpu.memory_space<hbm>> -> memref<1x3200x12xf32, #tpu.memory_space<hbm>>
      %dma_wait3A_51 = tpu.memref_squeeze %dma_wait3A_50 : memref<1x3200x12xf32, #tpu.memory_space<hbm>> -> memref<3200x12xf32, #tpu.memory_space<hbm>>
      %dma_wait3A_52 = arith.constant 0 : i32
      %dma_wait3A_53 = arith.constant 0 : i32
      %dma_wait3A_54 = tpu.memref_slice %arg7[%add3A_41, %dma_wait3A_52, %dma_wait3A_53] : memref<64x3200x12xf32, #tpu.memory_space<hbm>> -> memref<1x3200x12xf32, #tpu.memory_space<hbm>>
      %dma_wait3A_55 = tpu.memref_squeeze %dma_wait3A_54 : memref<1x3200x12xf32, #tpu.memory_space<hbm>> -> memref<3200x12xf32, #tpu.memory_space<hbm>>
      tpu.wait_dma2 semaphore(%run_scoped3A : memref<!tpu.dma_semaphore, #tpu.memory_space<semaphore_mem>>) src(%arg11 : memref<3200x12xf32, #tpu.memory_space<vmem>>) dst(%dma_wait3A_55 : memref<3200x12xf32, #tpu.memory_space<hbm>>)
      tpu.yield
    }) : () -> ()
    return
  }
}

module attributes {stable_mosaic.version = 14 : i64} {
  func.func @_tc_body(%arg0: i32, %arg1: memref<64x20x12xf32, #tpu.memory_space<vmem>>, %arg2: memref<64x50x12xf32, #tpu.memory_space<vmem>>, %arg3: memref<64x20x50xf32, #tpu.memory_space<vmem>>) attributes {dimension_semantics = [#tpu.dimension_semantics<arbitrary>], iteration_bounds = array<i64: 64>, scalar_prefetch = 0 : i64, scratch_operands = 0 : i64, tpu.core_type = #tpu.core_type<tc>, window_params = [{transform_indices = @transform_0, window_bounds = array<i64: 64, 20, 12>}, {transform_indices = @transform_1, window_bounds = array<i64: 64, 50, 12>}, {transform_indices = @transform_2, window_bounds = array<i64: 64, 20, 50>}]} {
    %get3A = arith.constant 0 : index
    %get3A_0 = arith.constant 0 : index
    %get3A_1 = arith.constant 0 : index
    %get3A_2 = vector.load %arg1[%get3A, %get3A_0, %get3A_1] : memref<64x20x12xf32, #tpu.memory_space<vmem>>, vector<64x20x12xf32>
    %get3A_3 = arith.constant 0 : index
    %get3A_4 = arith.constant 0 : index
    %get3A_5 = arith.constant 0 : index
    %get3A_6 = vector.load %arg2[%get3A_3, %get3A_4, %get3A_5] : memref<64x50x12xf32, #tpu.memory_space<vmem>>, vector<64x50x12xf32>
    %dot_general3A = arith.constant dense<0.000000e+00> : vector<64x20x50xf32>
    %dot_general3A_7 = tpu.matmul %get3A_2, %get3A_6, %dot_general3A {dimension_numbers = #tpu.dot_dimension_numbers<[2], [2], [1], [1], [0, 0, 0, 1, 1, 1], [0], [0]>, transpose_lhs_hint = false} : vector<64x20x12xf32>, vector<64x50x12xf32>, vector<64x20x50xf32> -> vector<64x20x50xf32>
    %neg3A = arith.constant 0.000000e+00 : f32
    %neg3A_8 = vector.broadcast %neg3A : f32 to vector<64x20x50xf32>
    %neg3A_9 = arith.subf %neg3A_8, %dot_general3A_7 : vector<64x20x50xf32>
    %exp3A = math.exp %neg3A_9 : vector<64x20x50xf32>
    %add3A = arith.constant 1.000000e+00 : f32
    %add3A_10 = vector.broadcast %add3A : f32 to vector<64x20x50xf32>
    %add3A_11 = arith.addf %add3A_10, %exp3A : vector<64x20x50xf32>
    %div3A = arith.constant 1.000000e+00 : f32
    %div3A_12 = vector.broadcast %div3A : f32 to vector<64x20x50xf32>
    %div3A_13 = arith.divf %div3A_12, %add3A_11 : vector<64x20x50xf32>
    %swap3A = arith.constant 0 : index
    %swap3A_14 = arith.constant 0 : index
    %swap3A_15 = arith.constant 0 : index
    %swap3A_16 = vector.load %arg3[%swap3A, %swap3A_14, %swap3A_15] : memref<64x20x50xf32, #tpu.memory_space<vmem>>, vector<64x20x50xf32>
    tpu.vector_store %arg3[%swap3A, %swap3A_14, %swap3A_15], %div3A_13 {strides = array<i32>} : memref<64x20x50xf32, #tpu.memory_space<vmem>>, vector<64x20x50xf32>,
    return
  }
  func.func @transform_0(%arg0: i32) -> (i32, i32, i32) {
    %c0_i32 = arith.constant 0 : i32
    %c0_i32_0 = arith.constant 0 : i32
    %c0_i32_1 = arith.constant 0 : i32
    return %arg0, %c0_i32, %c0_i32_0 : i32, i32, i32
  }
  func.func @transform_1(%arg0: i32) -> (i32, i32, i32) {
    %c0_i32 = arith.constant 0 : i32
    %c0_i32_0 = arith.constant 0 : i32
    %c0_i32_1 = arith.constant 0 : i32
    return %arg0, %c0_i32, %c0_i32_0 : i32, i32, i32
  }
  func.func @transform_2(%arg0: i32) -> (i32, i32, i32) {
    %c0_i32 = arith.constant 0 : i32
    %c0_i32_0 = arith.constant 0 : i32
    %c0_i32_1 = arith.constant 0 : i32
    return %arg0, %c0_i32, %c0_i32_0 : i32, i32, i32
  }
}

</mosaic_0001>

<sc_bundles>
// kernel: kernel.4.cloned.1.call-start
scs
__scs_entry_jumppad:
0x0: {  	(pc) =	sbr.rel $0x88, $3  }
0x1: {  	(tag) =	ssettag $0x0;
	lr =	simm.s32 $0x1  }
0x2: {  	[smem:$0x3F9D] =	sst lr;
	_ =	strace $0xD0000000  }
0x3: {  	_ = 	snop  }
0x4: {  	_ = 	snop  }
0x5: {  	_ = 	snop  }
0x6: {  	_ = 	snop  }
0x7: {  	_ = 	snop  }
__scs_overlays_trampoline_lowered:
0x8: {  	[smem:$0x3FAC] =	sst s0  }
0x9: {  	[smem:$0x3FAD] =	sst s1  }
0xa: {  	[smem:$0x3FAE] =	sst s2  }
0xb: {  	[smem:$0x3FAF] =	sst s3  }
0xc: {  	[smem:$0x3FB0] =	sst s4  }
0xd: {  	[smem:$0x3FB1] =	sst s5  }
0xe: {  	[smem:$0x3FB2] =	sst s6  }
0xf: {  	[smem:$0x3FB3] =	sst s7  }
0x10: {  	[smem:$0x3FB4] =	sst s8  }
0x11: {  	[smem:$0x3FB5] =	sst s9;
	s0 =	simm.s32 @!p0 $0x0  }
0x12: {  	s1 =	sld [smem:$0x3F9B];
	s0 =	simm.s32 @p0 $0x1  }
0x13: {  	[smem:$0x3FB6] =	sst s0;
	s0 =	simm.s32 @!p1 $0x0  }
0x14: {  	s2 =	sld [smem:$0x3F9A];
	s0 =	simm.s32 @p1 $0x1  }
0x15: {  	[smem:$0x3FB7] =	sst s0;
	s0 =	simm.s32 @!p2 $0x0  }
0x16: {  	s3 =	sld [smem:$0x3FDB];
	s0 =	simm.s32 @p2 $0x1  }
0x17: {  	s4 =	simm.s32 $0x1BF5;
	[smem:$0x3FB9] =	sst s0  }
0x18: {  	s0 =	sld [smem:$0x3F9C];
	_ =	swait.ge [sflag:s4], $0x0  }
0x19: {  	s7 =	sld [smem:$0x3F9D]  }
0x1a: {  	s8 =	sadd.s32 $0xFFFFE003, lr  }
0x1b: {  	s9 =	sadd.s32 $0xFFFFFEF7, lr;
	s5 =	simm.s32 $0xFFFFFFFF;
	p2 =	slt.u32 s8, $0xFFFFF086  }
0x1c: {  	p1 =	slt.u32 s9, $0xF7A;
	s5 =	simm.s32 @!p2 $0x0  }
0x1d: {  	s5 =	simm.s32 @p1 $0x1;
	p0 =	seq.s32 s7, s2  }
0x1e: {  	s7 =	smul.u32 @!p0 $0xF7A, s2;
	p2 =	seq.s32 @!p0 s5, $0x0  }
0x1f: {  	s9 =	smul.u32 $0xF7A, s1;
	s8 =	simm.s32 @!p0 $0x1BF5;
	p2 =	por !p2, p0  }
0x20: {  	[sflag:s8] =	ssyncset.s32 @!p0 $0xFFFFF086;
	s6 =	sadd.s32 @!p0 s3, s7;
	s7 =	simm.s32 @!p0 $0x108  }
0x21: {  	s3 =	sadd.s32 s3, s9;
	s6 =	sadd.s32 @!p0 $0x88, s6;
	s7 =	simm.s32 @p2 $0x1082  }
0x22: {  	[simem:s7], [sflag:s8] =	dma.local @!p0 [hbm:s6], $0xF7A  }
0x23: {  	s9 =	sor.u32 $0xD0000000, s2;
	s6 =	simm.s32 $0x108;
	_ =	swait.ge @!p0 [sflag:s8], $0x0  }
0x24: {  	s3 =	sadd.s32 $0x88, s3;
	s6 =	simm.s32 @!p1 $0x1082;
	[sflag:s4] =	ssyncset.s32 $0xFFFFF086  }
0x25: {  	[simem:s6], [sflag:s4] =	dma.local [hbm:s3], $0xF7A  }
0x26: {  	[smem:$0x3F9D] =	sst s1;
	(tag) =	ssettag s2;
	_ =	strace s9  }
0x27: {  	s1 =	sld [smem:$0x3FAD]  }
0x28: {  	s2 =	sld [smem:$0x3FAE]  }
0x29: {  	s4 =	sld [smem:$0x3FB0]  }
0x2a: {  	p0 =	seq.s32 s5, $0x0;
	s5 =	sld [smem:$0x3FB1]  }
0x2b: {  	s6 =	sld [smem:$0x3FB2]  }
0x2c: {  	s7 =	sld [smem:$0x3FB3]  }
0x2d: {  	s3 =	simm.s32 $0x108;
	s8 =	sld [smem:$0x3FB4]  }
0x2e: {  	s3 =	simm.s32 @!p0 $0x1082;
	s9 =	sld [smem:$0x3FB5]  }
0x2f: {  	lr =	sadd.s32 s0, s3;
	s0 =	sld [smem:$0x3FAC]  }
0x30: {  	s3 =	sld [smem:$0x3FAF]  }
0x31: {  	[smem:$0x3FB8] =	sst s10  }
0x32: {  	s10 =	sld [smem:$0x3FB6];
	_ =	sdelay $0x3  }
0x33: {  	p0 =	seq.s32 s10, $0x1;
	s10 =	sld [smem:$0x3FB8];
	_ =	sdelay $0x3  }
0x34: {  	[smem:$0x3FB8] =	sst s10  }
0x35: {  	s10 =	sld [smem:$0x3FB7];
	_ =	sdelay $0x3  }
0x36: {  	p1 =	seq.s32 s10, $0x1;
	s10 =	sld [smem:$0x3FB8];
	_ =	sdelay $0x3  }
0x37: {  	[smem:$0x3FB8] =	sst s10  }
0x38: {  	s10 =	sld [smem:$0x3FB9]  }
0x39: {  	_ = 	snop;
	(pc) =	sbr.ind lr, $3  }
0x3a: {  	_ = 	snop  }
0x3b: {  	_ = 	snop  }
0x3c: {  	p2 =	seq.s32 s10, $0x1;
	s10 =	sld [smem:$0x3FB8]  }
0x3d: {  	_ =	shalt  }
0x3e: {  	_ =	shalt  }
0x3f: {  	_ =	shalt  }
0x40: {  	_ =	shalt  }
0x41: {  	_ =	shalt  }
0x42: {  	_ =	shalt  }
0x43: {  	_ =	shalt  }
0x44: {  	_ =	shalt  }
0x45: {  	_ =	shalt  }
0x46: {  	_ =	shalt  }
0x47: {  	_ =	shalt  }
0x48: {  	_ =	shalt  }
0x49: {  	_ =	shalt  }
0x4a: {  	_ =	shalt  }
0x4b: {  	_ =	shalt  }
0x4c: {  	_ =	shalt  }
0x4d: {  	_ =	shalt  }
0x4e: {  	_ =	shalt  }
0x4f: {  	_ =	shalt  }
0x50: {  	_ =	shalt  }
0x51: {  	_ =	shalt  }
0x52: {  	_ =	shalt  }
0x53: {  	_ =	shalt  }
0x54: {  	_ =	shalt  }
0x55: {  	_ =	shalt  }
0x56: {  	_ =	shalt  }
0x57: {  	_ =	shalt  }
0x58: {  	_ =	shalt  }
0x59: {  	_ =	shalt  }
0x5a: {  	_ =	shalt  }
0x5b: {  	_ =	shalt  }
0x5c: {  	_ =	shalt  }
0x5d: {  	_ =	shalt  }
0x5e: {  	_ =	shalt  }
0x5f: {  	_ =	shalt  }
0x60: {  	_ =	shalt  }
0x61: {  	_ =	shalt  }
0x62: {  	_ =	shalt  }
0x63: {  	_ =	shalt  }
0x64: {  	_ =	shalt  }
0x65: {  	_ =	shalt  }
0x66: {  	_ =	shalt  }
0x67: {  	_ =	shalt  }
0x68: {  	_ =	shalt  }
0x69: {  	_ =	shalt  }
0x6a: {  	_ =	shalt  }
0x6b: {  	_ =	shalt  }
0x6c: {  	_ =	shalt  }
0x6d: {  	_ =	shalt  }
0x6e: {  	_ =	shalt  }
0x6f: {  	_ =	shalt  }
0x70: {  	_ =	shalt  }
0x71: {  	_ =	shalt  }
0x72: {  	_ =	shalt  }
0x73: {  	_ =	shalt  }
0x74: {  	_ =	shalt  }
0x75: {  	_ =	shalt  }
0x76: {  	_ =	shalt  }
0x77: {  	_ =	shalt  }
0x78: {  	_ =	shalt  }
0x79: {  	_ =	shalt  }
0x7a: {  	_ =	shalt  }
0x7b: {  	_ =	shalt  }
0x7c: {  	_ =	shalt  }
0x7d: {  	_ =	shalt  }
0x7e: {  	_ =	shalt  }
0x7f: {  	_ =	shalt  }
0x80: {  	_ =	shalt  }
0x81: {  	_ =	shalt  }
0x82: {  	_ =	shalt  }
0x83: {  	_ =	shalt  }
0x84: {  	_ =	shalt  }
0x85: {  	_ =	shalt  }
0x86: {  	_ =	shalt  }
0x87: {  	_ =	shalt  }
.Lfunc_end0:
.L_simem_size_0:
called_computation_lowered:
.L_overlay_start_0:
0x88: {  	s2 =	sld [smem:$0x3FD9]  }
0x89: {  	s3 =	sld [smem:$0x3FFE];
	_ =	sdelay $0x1  }
0x8a: {  	s1 =	srdreg.scid  }
0x8b: {  	s0 =	sand.u32 $0x1, s1  }
0x8c: {  	s17 =	sshll.u32 s0, $0xA;
	s2 =	sadd.s32 s3, s2  }
0x8d: {  	s2 =	sadd.s32 s2, s17  }
0x8e: {  	[smem:$0x3FC4] =	sst s2  }
0x8f: {  	_ = 	snop  }
0x90: {  	s2 =	sld [smem:$0x3FD0];
	(tm) =	ssettm $0x1  }
0x91: {  	s18 =	sld [smem:$0x3FFB];
	_ =	sdelay $0x3  }
0x92: {  	_ =	strace s18  }
0x93: {  	s3 =	sld [smem:$0x3FFC];
	_ =	sdelay $0x3  }
0x94: {  	_ =	strace s3  }
0x95: {  	s3 =	sld [smem:$0x3FFD];
	_ =	sdelay $0x3  }
0x96: {  	_ =	strace s3  }
0x97: {  	_ =	strace $0x8FFFFFFF  }
0x98: {  	s19 =	sld [smem:$0x3FDB];
	_ =	sdelay $0x1  }
0x99: {  	s4 =	simm.s32 $_scs_section_size  }
0x9a: {  	s5 =	simm.s32 $_size__tile_overlayer_lowered;
	s6 =	simm.s32 $_tile_overlayer_lowered  }
0x9b: {  	s22 =	simm.s32 $0x1BFF;
	s21 =	sshll.u32 s6, $0x1;
	s3 =	sadd.s32 s4, s19  }
0x9c: {  	s7 =	simm.s32 $0x0;
	s20 =	sshll.u32 s5, $0x1;
	s5 =	sadd.s32 s21, s3  }
0x9d: {  	[timem:s7], [sflag:s22] =	dma.local [hbm:s5], s20  }
0x9e: {  	_ =	swait.ge [sflag:s22], s20  }
0x9f: {  	s4 =	ssub.s32 $0x0, s20;
	[sflag:s22] =	ssyncset.done $0x0  }
0xa0: {  	[sflag:s22] =	ssyncadd.s32 s4;
	_ =	sdelay $0x1  }
0xa1: {  	s23 =	simm.s32 $0x1B8B  }
0xa2: {  	_ =	swait.ge [sflag:s23], $0x1  }
0xa3: {  	[sflag:s23] =	ssyncset.done $0x0  }
0xa4: {  	s25 =	simm.s32 $0x1B8E;
	s24 =	sld [smem:$0x3FFE];
	[sflag:s23] =	ssyncadd.s32 $0xFFFFFFFF  }
0xa5: {  	s26 =	simm.s32 $execute0_lowered;
	[smem:$0x3FD2] =	sst s25  }
0xa6: {  	s5 =	sshll.u32 s26, $0x1;
	_ =	strace $0x80000046;
	[dreg:$0x1] =	wrdreg $0xFFFFFFFF  }
0xa7: {  	s28 =	simm.s32 $_size_execute0_lowered;
	s3 =	sadd.s32 s3, s5;
	[dreg:$0x0] =	wrdreg $0x0  }
0xa8: {  	s5 =	sshll.u32 s28, $0x1;
	[dreg:$0x2] =	wrdreg s3  }
0xa9: {  	[dreg:$0x3] =	wrdreg s5  }
0xaa: {  	[dreg:$0x4] =	wrdreg $0xC0  }
0xab: {  	_ =	task [dreg:s7], $0x5FFFF  }
0xac: {  	[dreg:$0x1] =	wrdreg $0xFFFFFFFF  }
0xad: {  	[dreg:$0x0] =	wrdreg $0x60  }
0xae: {  	[dreg:$0x2] =	wrdreg s24  }
0xaf: {  	[dreg:$0x3] =	wrdreg s2  }
0xb0: {  	[dreg:$0x4] =	wrdreg $0x9  }
0xb1: {  	_ =	task.clear_ibuf [dreg:s7], $0x5FFFF;
	_ =	strace $0x90000046  }
0xb2: {  	s29 =	simm.s32 $0x9;
	_ =	strace $0x80000048  }
0xb3: {  	_ =	swait.ge [sflag:s29], $0x1  }
0xb4: {  	[sflag:s29] =	ssyncadd.s32 $0xFFFFFFFF  }
0xb5: {  	_ =	strace $0x90000048  }
0xb6: {  	_ =	sfence  }
0xb7: {  	s30 =	sld [smem:$0x0];
	_ =	sdelay $0x2  }
0xb8: {  	s31 =	sshll.u32 s1, $0xD;
	s1 =	sshrl.u32 s1, $0x2  }
0xb9: {  	s3 =	sand.u32 $0x4000, s31;
	s1 =	sadd.s32 s1, s30  }
0xba: {  	s0 =	sor.u32 s3, s0;
	s1 =	sshll.u32 s1, $0x11  }
0xbb: {  	s0 =	sor.u32 s1, s0  }
0xbc: {  	s0 =	sadd.s32 $0x8F2B, s0  }
0xbd: {  	[sflag:s0] =	ssyncadd.remote.s32 $0x1  }
0xbe: {  	_ =	sfence.sel $0xFFFF  }
0xbf: {  	[dreg:$0x0] =	wrdreg $0xFFFFFFFF;
	(pc) =	sbr.abs _section_cstart, $3  }
0xc0: {  	[dreg:$0x1] =	wrdreg $0xFFFFFFFF  }
0xc1: {  	_ =	task.clear_ibuf [dreg:s7], $0x2FFFF;
	_ =	strace $0x9FFFFFFF  }
0xc2: {  	(tm) =	ssettm $0x7FFFFFFF  }
0xc3: {  	_ =	shalt  }
tec
execute0_lowered:
.L_overlay_start_1:
0x0: {  	(tag) =	ssettag $0x1  }
0x1: {  	s1 =	stileid.u32;
	s4 =	rddreg [dreg:$0x1]  }
0x2: {  	s26 =	simm.s32 $0x0;
	s2 =	sshll.u32 s1, $0x1;
	s1 =	rddreg [dreg:$0x0]  }
0x3: {  	s11 =	simm.s32 $0x2B00;
	[smem:$0x7FF] =	sst s26  }
0x4: {  	s12 =	simm.s32 $0x100;
	_ =	strace $0x80000047;
	[dreg:$0x8] =	wrdreg s11  }
0x5: {  	s13 =	simm.s32 $0x3300;
	[dreg:$0x9] =	wrdreg s12  }
0x6: {  	s14 =	simm.s32 $0x180;
	[dreg:$0xa] =	wrdreg s13  }
0x7: {  	s15 =	simm.s32 $0x3B00;
	[dreg:$0xb] =	wrdreg s14  }
0x8: {  	s16 =	simm.s32 $0x200;
	[dreg:$0xc] =	wrdreg s15  }
0x9: {  	s17 =	simm.s32 $0x4300;
	[dreg:$0xd] =	wrdreg s16  }
0xa: {  	s18 =	simm.s32 $0x280;
	[dreg:$0xe] =	wrdreg s17  }
0xb: {  	s19 =	simm.s32 $0x4B00;
	[dreg:$0xf] =	wrdreg s18  }
0xc: {  	s20 =	simm.s32 $0x300;
	[dreg:$0x10] =	wrdreg s19  }
0xd: {  	s21 =	simm.s32 $0x5300;
	[dreg:$0x11] =	wrdreg s20  }
0xe: {  	s22 =	simm.s32 $0x380;
	[dreg:$0x12] =	wrdreg s21  }
0xf: {  	s23 =	simm.s32 $0x5B00;
	[dreg:$0x13] =	wrdreg s22  }
0x10: {  	s24 =	simm.s32 $0x400;
	[dreg:$0x14] =	wrdreg s23  }
0x11: {  	s0 =	srdreg.scid;
	s25 =	simm.s32 $0x6300;
	[dreg:$0x15] =	wrdreg s24  }
0x12: {  	s0 =	sand.u32 $0x1, s0;
	s26 =	simm.s32 $0x480;
	[dreg:$0x16] =	wrdreg s25  }
0x13: {  	s3 =	sor.u32 s0, s2;
	[dreg:$0x17] =	wrdreg s26;
	s2 =	simm.s32 $0x6B00  }
0x14: {  	s11 =	simm.s32 $0x8B00;
	[dreg:$0x18] =	wrdreg s2  }
0x15: {  	s12 =	simm.s32 $0x700;
	[smem:$0x7C0] =	sst s11  }
0x16: {  	s13 =	simm.s32 $0x9300;
	[smem:$0x7C1] =	sst s12  }
0x17: {  	s14 =	simm.s32 $0x780;
	[smem:$0x7C2] =	sst s13  }
0x18: {  	s15 =	simm.s32 $0x9B00;
	[smem:$0x7C3] =	sst s14  }
0x19: {  	s16 =	simm.s32 $0x800;
	[smem:$0x7C4] =	sst s15  }
0x1a: {  	s17 =	simm.s32 $0xA300;
	[smem:$0x7C5] =	sst s16  }
0x1b: {  	s18 =	simm.s32 $0x880;
	[smem:$0x7C6] =	sst s17  }
0x1c: {  	s19 =	simm.s32 $0xAB00;
	[smem:$0x7C7] =	sst s18  }
0x1d: {  	s20 =	simm.s32 $0x900;
	[smem:$0x7C8] =	sst s19  }
0x1e: {  	s21 =	simm.s32 $0xB300;
	[smem:$0x7C9] =	sst s20  }
0x1f: {  	s22 =	simm.s32 $0x980;
	[smem:$0x7CA] =	sst s21  }
0x20: {  	s23 =	simm.s32 $0xBB00;
	[smem:$0x7CB] =	sst s22  }
0x21: {  	s24 =	simm.s32 $0xA80;
	[smem:$0x7CC] =	sst s23  }
0x22: {  	s25 =	simm.s32 $0xB00;
	[smem:$0x7CD] =	sst s24  }
0x23: {  	s26 =	simm.s32 $0xB80;
	[smem:$0x7CE] =	sst s25  }
0x24: {  	[smem:$0x7CF] =	sst s26;
	s2 =	simm.s32 $0xC00  }
0x25: {  	s11 =	simm.s32 $0x1000;
	[smem:$0x7D0] =	sst s2  }
0x26: {  	s12 =	simm.s32 $0x1080;
	[smem:$0x7D8] =	sst s11  }
0x27: {  	s13 =	simm.s32 $0x1100;
	[smem:$0x7D9] =	sst s12  }
0x28: {  	s14 =	simm.s32 $0x1180;
	[smem:$0x7DA] =	sst s13  }
0x29: {  	s15 =	simm.s32 $0x1200;
	[smem:$0x7DB] =	sst s14  }
0x2a: {  	s16 =	simm.s32 $0x1280;
	[smem:$0x7DC] =	sst s15  }
0x2b: {  	s17 =	simm.s32 $0x1300;
	[smem:$0x7DD] =	sst s16  }
0x2c: {  	s18 =	simm.s32 $0x1380;
	[smem:$0x7DE] =	sst s17  }
0x2d: {  	s19 =	simm.s32 $0x1400;
	[smem:$0x7DF] =	sst s18  }
0x2e: {  	s20 =	simm.s32 $0x1480;
	[smem:$0x7E0] =	sst s19  }
0x2f: {  	s21 =	simm.s32 $0x1500;
	[smem:$0x7E1] =	sst s20  }
0x30: {  	s22 =	simm.s32 $0x1580;
	[smem:$0x7E2] =	sst s21  }
0x31: {  	s23 =	simm.s32 $0x1600;
	[smem:$0x7E3] =	sst s22  }
0x32: {  	s24 =	simm.s32 $0x1680;
	[smem:$0x7E4] =	sst s23  }
0x33: {  	s25 =	simm.s32 $0x1700;
	[smem:$0x7E5] =	sst s24  }
0x34: {  	s26 =	simm.s32 $0x1780;
	[smem:$0x7E6] =	sst s25  }
0x35: {  	[smem:$0x7E7] =	sst s26;
	s2 =	simm.s32 $0x1800  }
0x36: {  	s11 =	simm.s32 $0x1B00;
	[smem:$0x7E8] =	sst s2  }
0x37: {  	s12 =	simm.s32 $0x1B80;
	[smem:$0x7EE] =	sst s11  }
0x38: {  	s13 =	simm.s32 $0x1C00;
	[smem:$0x7EF] =	sst s12  }
0x39: {  	s14 =	simm.s32 $0x1C80;
	[smem:$0x7F0] =	sst s13  }
0x3a: {  	s15 =	simm.s32 $0x1D00;
	[smem:$0x7F1] =	sst s14  }
0x3b: {  	s16 =	simm.s32 $0x1D80;
	[smem:$0x7F2] =	sst s15  }
0x3c: {  	s17 =	simm.s32 $0x1E00;
	[smem:$0x7F3] =	sst s16  }
0x3d: {  	s18 =	simm.s32 $0x1E80;
	[smem:$0x7F4] =	sst s17  }
0x3e: {  	s28 =	simm.s32 $0x12300;
	s19 =	simm.s32 $0x1F00;
	[smem:$0x7F5] =	sst s18  }
0x3f: {  	s29 =	simm.s32 $0x12B00;
	s20 =	simm.s32 $0x1F80;
	[smem:$0x7F6] =	sst s19  }
0x40: {  	s5 =	smul.u32 $0x140, s3;
	s21 =	simm.s32 $0x2000;
	[smem:$0x7F7] =	sst s20  }
0x41: {  	s6 =	smul.u32 $0x320, s3;
	s22 =	simm.s32 $0x2080;
	[smem:$0x7F8] =	sst s21  }
0x42: {  	s7 =	smul.u32 $0x1400, s3;
	s23 =	simm.s32 $0x2100;
	[smem:$0x7F9] =	sst s22  }
0x43: {  	s8 =	smul.u32 $0x19000, s3;
	s24 =	simm.s32 $0x2180;
	[smem:$0x7FA] =	sst s23  }
0x44: {  	s3 =	smul.u32 $0x3200, s3;
	s25 =	simm.s32 $0x2200;
	[smem:$0x7FB] =	sst s24  }
0x45: {  	s30 =	simm.s32 $0x13300;
	s26 =	simm.s32 $0x2280;
	[smem:$0x7FC] =	sst s25  }
0x46: {  	s5 =	sadd.s32 s5, s1;
	s3 =	sadd.s32 s4, s3;
	[smem:$0x7FD] =	sst s26  }
0x47: {  	s9 =	sshrl.u32 s8, $0x3;
	s8 =	simm.s32 $0x600;
	[dreg:$0x6] =	wrdreg s3  }
0x48: {  	s6 =	sadd.s32 s6, s1;
	s5 =	sadd.s32 $0x6EA00, s5;
	[dreg:$0x1d] =	wrdreg s8  }
0x49: {  	s7 =	sadd.s32 s7, s1;
	s6 =	sadd.s32 $0x68600, s6;
	[dreg:$0x3] =	wrdreg s5  }
0x4a: {  	s31 =	simm.s32 $0x13B00;
	s7 =	sadd.s32 $0x71200, s7;
	[dreg:$0x4] =	wrdreg s6  }
0x4b: {  	s4 =	sadd.s32 s4, s9;
	s9 =	simm.s32 $0x8300;
	[dreg:$0x5] =	wrdreg s7  }
0x4c: {  	s0 =	ssub.s32 $0x2, s0;
	s8 =	simm.s32 $0xE80;
	[dreg:$0x1e] =	wrdreg s9  }
0x4d: {  	s11 =	simm.s32 $0x1;
	s10 =	sadd.s32 $0x1900, s4;
	[smem:$0x7D5] =	sst s8  }
0x4e: {  	s12 =	simm.s32 $0x2;
	s4 =	simm.s32 $0x500;
	[dreg:$0x7] =	wrdreg s10  }
0x4f: {  	s18 =	simm.s32 $0x2300;
	s5 =	simm.s32 $0x7300;
	[dreg:$0x19] =	wrdreg s4  }
0x50: {  	s2 =	simm.s32 $0xC300;
	s6 =	simm.s32 $0x580;
	[dreg:$0x1a] =	wrdreg s5  }
0x51: {  	s19 =	simm.s32 $0xE300;
	s7 =	simm.s32 $0x7B00;
	[dreg:$0x1b] =	wrdreg s6  }
0x52: {  	s20 =	simm.s32 $0xEB00;
	s9 =	simm.s32 $0xF00;
	[dreg:$0x1c] =	wrdreg s7  }
0x53: {  	s21 =	simm.s32 $0xF300;
	s8 =	simm.s32 $0x1980;
	[smem:$0x7D6] =	sst s9  }
0x54: {  	s22 =	simm.s32 $0xFB00;
	s10 =	simm.s32 $0x680;
	[smem:$0x7EB] =	sst s8  }
0x55: {  	s23 =	simm.s32 $0x10300;
	s4 =	simm.s32 $0xC80;
	[dreg:$0x1f] =	wrdreg s10  }
0x56: {  	s24 =	simm.s32 $0x10B00;
	s5 =	simm.s32 $0xD00;
	[smem:$0x7D1] =	sst s4  }
0x57: {  	s25 =	simm.s32 $0x11300;
	s6 =	simm.s32 $0xD80;
	[smem:$0x7D2] =	sst s5  }
0x58: {  	s26 =	simm.s32 $0x11B00;
	s7 =	simm.s32 $0xE00;
	[smem:$0x7D3] =	sst s6  }
0x59: {  	s3 =	sadd.s32 $0x1000, s1;
	s9 =	simm.s32 $0x1A00;
	[smem:$0x7D4] =	sst s7  }
0x5a: {  	s8 =	simm.s32 $0x80;
	s10 =	simm.s32 $0xF80;
	[smem:$0x7EC] =	sst s9  }
0x5b: {  	s4 =	sadd.s32 $0x4C800, s1;
	s5 =	simm.s32 $0x1880;
	[smem:$0x7D7] =	sst s10  }
0x5c: {  	s6 =	sshrl.u32 s0, $0x1;
	s7 =	simm.s32 $0x1900;
	[smem:$0x7E9] =	sst s5  }
0x5d: {  	s9 =	simm.s32 $0x15B00;
	s0 =	ssub.s32 s0, s6;
	[smem:$0x7EA] =	sst s7  }
0x5e: {  	s6 =	simm.s32 $0x3;
	s10 =	simm.s32 $0x1A80;
	s5 =	smax.u32 s0, $0x1  }
0x5f: {  	[smem:$0x7ED] =	sst s10;
	s0 =	simm.s32 $0x0;
	s10 =	simm.s32 $0x16300  }
.LBB2_1:
0x60: {  	s13 =	rddreg [dreg:$0x3]  }
0x61: {  	[tilespmem:s0], [sflag:$0x3] =	stream.linear.gather [hbm4b:s13+s0], $0xA00, $0x38;
	[tilespmem:$0x18B00] =	vst v63  }
0x62: {  	_ =	swait.ge [sflag:s6], $0xA00  }
0x63: {  	[sflag:s6] =	ssyncset.done $0x0  }
0x64: {  	s17 =	simm.s32 $0xA00;
	s16 =	rddreg [dreg:$0x4];
	[sflag:s6] =	ssyncadd.s32 $0xFFFFF600  }
0x65: {  	[tilespmem:s17], [sflag:$0x3] =	stream.linear.gather [hbm4b:s16+s0], $0x1900, $0x38;
	[tilespmem:$0x18B00] =	vst v63  }
0x66: {  	_ =	swait.ge [sflag:s6], $0x1900  }
0x67: {  	s1 =	rddreg [dreg:$0x8]  }
0x68: {  	s7 =	rddreg [dreg:$0x9]  }
0x69: {  	[sflag:s6] =	ssyncset.done $0x0;
	s14 =	rddreg [dreg:$0xa]  }
0x6a: {  	s15 =	rddreg [dreg:$0xb];
	[sflag:s6] =	ssyncadd.s32 $0xFFFFE700  }
0x6b: {  	[tilespmem:s18], [sflag:$0x1] =	stream.indirect.gather [hbm4b:s3+s8], $0xC, s0, s8, $0xb8;
	[tilespmem:$0x18B00] =	vst v63  }
0x6c: {  	s16 =	rddreg [dreg:$0xc]  }
0x6d: {  	[tilespmem:s1], [sflag:$0x1] =	stream.indirect.gather [hbm4b:s3+s8], $0xC, s8, s8, $0xb8;
	[tilespmem:$0x18B00] =	vst v63  }
0x6e: {  	s1 =	rddreg [dreg:$0xf]  }
0x6f: {  	[tilespmem:s14], [sflag:$0x1] =	stream.indirect.gather [hbm4b:s3+s8], $0xC, s7, s8, $0xb8;
	[tilespmem:$0x18B00] =	vst v63  }
0x70: {  	s7 =	rddreg [dreg:$0x10]  }
0x71: {  	[tilespmem:s16], [sflag:$0x1] =	stream.indirect.gather [hbm4b:s3+s8], $0xC, s15, s8, $0xb8;
	[tilespmem:$0x18B00] =	vst v63  }
0x72: {  	s15 =	rddreg [dreg:$0xd]  }
0x73: {  	s16 =	rddreg [dreg:$0xe]  }
0x74: {  	[tilespmem:s16], [sflag:$0x1] =	stream.indirect.gather [hbm4b:s3+s8], $0xC, s15, s8, $0xb8;
	[tilespmem:$0x18B00] =	vst v63  }
0x75: {  	s15 =	rddreg [dreg:$0x11]  }
0x76: {  	s16 =	rddreg [dreg:$0x12]  }
0x77: {  	[tilespmem:s7], [sflag:$0x1] =	stream.indirect.gather [hbm4b:s3+s8], $0xC, s1, s8, $0xb8;
	[tilespmem:$0x18B00] =	vst v63  }
0x78: {  	s1 =	rddreg [dreg:$0x13]  }
0x79: {  	s7 =	rddreg [dreg:$0x14]  }
0x7a: {  	[tilespmem:s16], [sflag:$0x1] =	stream.indirect.gather [hbm4b:s3+s8], $0xC, s15, s8, $0xb8;
	[tilespmem:$0x18B00] =	vst v63  }
0x7b: {  	s15 =	rddreg [dreg:$0x15]  }
0x7c: {  	s16 =	rddreg [dreg:$0x16]  }
0x7d: {  	[tilespmem:s7], [sflag:$0x1] =	stream.indirect.gather [hbm4b:s3+s8], $0xC, s1, s8, $0xb8;
	[tilespmem:$0x18B00] =	vst v63  }
0x7e: {  	s1 =	rddreg [dreg:$0x17]  }
0x7f: {  	s7 =	rddreg [dreg:$0x18]  }
0x80: {  	[tilespmem:s16], [sflag:$0x1] =	stream.indirect.gather [hbm4b:s3+s8], $0xC, s15, s8, $0xb8;
	[tilespmem:$0x18B00] =	vst v63  }
0x81: {  	s15 =	rddreg [dreg:$0x19]  }
0x82: {  	s16 =	rddreg [dreg:$0x1a]  }
0x83: {  	[tilespmem:s7], [sflag:$0x1] =	stream.indirect.gather [hbm4b:s3+s8], $0xC, s1, s8, $0xb8;
	[tilespmem:$0x18B00] =	vst v63  }
0x84: {  	s1 =	rddreg [dreg:$0x1b]  }
0x85: {  	s7 =	rddreg [dreg:$0x1c]  }
0x86: {  	[tilespmem:s16], [sflag:$0x1] =	stream.indirect.gather [hbm4b:s3+s8], $0xC, s15, s8, $0xb8;
	[tilespmem:$0x18B00] =	vst v63  }
0x87: {  	s15 =	rddreg [dreg:$0x1d]  }
0x88: {  	s16 =	rddreg [dreg:$0x1e]  }
0x89: {  	[tilespmem:s7], [sflag:$0x1] =	stream.indirect.gather [hbm4b:s3+s8], $0xC, s1, s8, $0xb8;
	[tilespmem:$0x18B00] =	vst v63  }
0x8a: {  	s1 =	rddreg [dreg:$0x1f]  }
0x8b: {  	s7 =	sld [smem:$0x7C0]  }
0x8c: {  	[tilespmem:s16], [sflag:$0x1] =	stream.indirect.gather [hbm4b:s3+s8], $0xC, s15, s8, $0xb8;
	[tilespmem:$0x18B00] =	vst v63  }
0x8d: {  	s15 =	sld [smem:$0x7C1]  }
0x8e: {  	s16 =	sld [smem:$0x7C2]  }
0x8f: {  	[tilespmem:s7], [sflag:$0x1] =	stream.indirect.gather [hbm4b:s3+s8], $0xC, s1, s8, $0xb8;
	[tilespmem:$0x18B00] =	vst v63  }
0x90: {  	s1 =	sld [smem:$0x7C3]  }
0x91: {  	s7 =	sld [smem:$0x7C4]  }
0x92: {  	[tilespmem:s16], [sflag:$0x1] =	stream.indirect.gather [hbm4b:s3+s8], $0xC, s15, s8, $0xb8;
	[tilespmem:$0x18B00] =	vst v63  }
0x93: {  	s15 =	sld [smem:$0x7C5]  }
0x94: {  	s16 =	sld [smem:$0x7C6]  }
0x95: {  	[tilespmem:s7], [sflag:$0x1] =	stream.indirect.gather [hbm4b:s3+s8], $0xC, s1, s8, $0xb8;
	[tilespmem:$0x18B00] =	vst v63  }
0x96: {  	s1 =	sld [smem:$0x7C7]  }
0x97: {  	s7 =	sld [smem:$0x7C8]  }
0x98: {  	[tilespmem:s16], [sflag:$0x1] =	stream.indirect.gather [hbm4b:s3+s8], $0xC, s15, s8, $0xb8;
	[tilespmem:$0x18B00] =	vst v63  }
0x99: {  	s15 =	sld [smem:$0x7C9]  }
0x9a: {  	s16 =	sld [smem:$0x7CA]  }
0x9b: {  	[tilespmem:s7], [sflag:$0x1] =	stream.indirect.gather [hbm4b:s3+s8], $0xC, s1, s8, $0xb8;
	[tilespmem:$0x18B00] =	vst v63  }
0x9c: {  	s1 =	sld [smem:$0x7CB]  }
0x9d: {  	s7 =	sld [smem:$0x7CC]  }
0x9e: {  	[tilespmem:s16], [sflag:$0x1] =	stream.indirect.gather [hbm4b:s3+s8], $0xC, s15, s8, $0xb8;
	[tilespmem:$0x18B00] =	vst v63  }
0x9f: {  	_ = 	snop  }
0xa0: {  	[tilespmem:s7], [sflag:$0x1] =	stream.indirect.gather [hbm4b:s3+s8], $0xC, s1, s8, $0xb8;
	[tilespmem:$0x18B00] =	vst v63  }
0xa1: {  	s16 =	sld [smem:$0x7CD]  }
0xa2: {  	[tilespmem:s2], [sflag:$0x2] =	stream.indirect.gather [hbm4b:s4+s8], $0xC, s17, s8, $0xb8;
	[tilespmem:$0x18B00] =	vst v63  }
0xa3: {  	s15 =	simm.s32 $0xCB00;
	s17 =	sld [smem:$0x7CE]  }
0xa4: {  	[tilespmem:s15], [sflag:$0x2] =	stream.indirect.gather [hbm4b:s4+s8], $0xC, s16, s8, $0xb8;
	[tilespmem:$0x18B00] =	vst v63  }
0xa5: {  	s1 =	sld [smem:$0x7CF];
	s16 =	simm.s32 $0xD300  }
0xa6: {  	[tilespmem:s16], [sflag:$0x2] =	stream.indirect.gather [hbm4b:s4+s8], $0xC, s17, s8, $0xb8;
	[tilespmem:$0x18B00] =	vst v63  }
0xa7: {  	s7 =	sld [smem:$0x7D0];
	s17 =	simm.s32 $0xDB00  }
0xa8: {  	[tilespmem:s17], [sflag:$0x2] =	stream.indirect.gather [hbm4b:s4+s8], $0xC, s1, s8, $0xb8;
	[tilespmem:$0x18B00] =	vst v63  }
0xa9: {  	s1 =	sld [smem:$0x7D1]  }
0xaa: {  	[tilespmem:s19], [sflag:$0x2] =	stream.indirect.gather [hbm4b:s4+s8], $0xC, s7, s8, $0xb8;
	[tilespmem:$0x18B00] =	vst v63  }
0xab: {  	s7 =	sld [smem:$0x7D2]  }
0xac: {  	[tilespmem:s20], [sflag:$0x2] =	stream.indirect.gather [hbm4b:s4+s8], $0xC, s1, s8, $0xb8;
	[tilespmem:$0x18B00] =	vst v63  }
0xad: {  	s1 =	sld [smem:$0x7D3]  }
0xae: {  	[tilespmem:s21], [sflag:$0x2] =	stream.indirect.gather [hbm4b:s4+s8], $0xC, s7, s8, $0xb8;
	[tilespmem:$0x18B00] =	vst v63  }
0xaf: {  	s7 =	sld [smem:$0x7D4]  }
0xb0: {  	[tilespmem:s22], [sflag:$0x2] =	stream.indirect.gather [hbm4b:s4+s8], $0xC, s1, s8, $0xb8;
	[tilespmem:$0x18B00] =	vst v63  }
0xb1: {  	s1 =	sld [smem:$0x7D5]  }
0xb2: {  	[tilespmem:s23], [sflag:$0x2] =	stream.indirect.gather [hbm4b:s4+s8], $0xC, s7, s8, $0xb8;
	[tilespmem:$0x18B00] =	vst v63  }
0xb3: {  	s7 =	sld [smem:$0x7D6]  }
0xb4: {  	[tilespmem:s24], [sflag:$0x2] =	stream.indirect.gather [hbm4b:s4+s8], $0xC, s1, s8, $0xb8;
	[tilespmem:$0x18B00] =	vst v63  }
0xb5: {  	s1 =	sld [smem:$0x7D7]  }
0xb6: {  	[tilespmem:s25], [sflag:$0x2] =	stream.indirect.gather [hbm4b:s4+s8], $0xC, s7, s8, $0xb8;
	[tilespmem:$0x18B00] =	vst v63  }
0xb7: {  	s7 =	sld [smem:$0x7D8]  }
0xb8: {  	[tilespmem:s26], [sflag:$0x2] =	stream.indirect.gather [hbm4b:s4+s8], $0xC, s1, s8, $0xb8;
	[tilespmem:$0x18B00] =	vst v63  }
0xb9: {  	s1 =	sld [smem:$0x7D9]  }
0xba: {  	[tilespmem:s28], [sflag:$0x2] =	stream.indirect.gather [hbm4b:s4+s8], $0xC, s7, s8, $0xb8;
	[tilespmem:$0x18B00] =	vst v63  }
0xbb: {  	s7 =	sld [smem:$0x7DA]  }
0xbc: {  	[tilespmem:s29], [sflag:$0x2] =	stream.indirect.gather [hbm4b:s4+s8], $0xC, s1, s8, $0xb8;
	[tilespmem:$0x18B00] =	vst v63  }
0xbd: {  	s1 =	sld [smem:$0x7DB]  }
0xbe: {  	[tilespmem:s30], [sflag:$0x2] =	stream.indirect.gather [hbm4b:s4+s8], $0xC, s7, s8, $0xb8;
	[tilespmem:$0x18B00] =	vst v63  }
0xbf: {  	s7 =	sld [smem:$0x7DC]  }
0xc0: {  	[tilespmem:s31], [sflag:$0x2] =	stream.indirect.gather [hbm4b:s4+s8], $0xC, s1, s8, $0xb8;
	[tilespmem:$0x18B00] =	vst v63  }
0xc1: {  	s13 =	sld [smem:$0x7DD];
	s1 =	simm.s32 $0x14300  }
0xc2: {  	[tilespmem:s1], [sflag:$0x2] =	stream.indirect.gather [hbm4b:s4+s8], $0xC, s7, s8, $0xb8;
	[tilespmem:$0x18B00] =	vst v63  }
0xc3: {  	s1 =	sld [smem:$0x7DE];
	s7 =	simm.s32 $0x14B00  }
0xc4: {  	[tilespmem:s7], [sflag:$0x2] =	stream.indirect.gather [hbm4b:s4+s8], $0xC, s13, s8, $0xb8;
	[tilespmem:$0x18B00] =	vst v63  }
0xc5: {  	s13 =	sld [smem:$0x7DF];
	s7 =	simm.s32 $0x15300  }
0xc6: {  	[tilespmem:s7], [sflag:$0x2] =	stream.indirect.gather [hbm4b:s4+s8], $0xC, s1, s8, $0xb8;
	[tilespmem:$0x18B00] =	vst v63  }
0xc7: {  	s1 =	sld [smem:$0x7E0]  }
0xc8: {  	[tilespmem:s9], [sflag:$0x2] =	stream.indirect.gather [hbm4b:s4+s8], $0xC, s13, s8, $0xb8;
	[tilespmem:$0x18B00] =	vst v63  }
0xc9: {  	s13 =	sld [smem:$0x7E1]  }
0xca: {  	[tilespmem:s10], [sflag:$0x2] =	stream.indirect.gather [hbm4b:s4+s8], $0xC, s1, s8, $0xb8;
	[tilespmem:$0x18B00] =	vst v63  }
0xcb: {  	s14 =	sld [smem:$0x7E2];
	s1 =	simm.s32 $0x16B00  }
0xcc: {  	[tilespmem:s1], [sflag:$0x2] =	stream.indirect.gather [hbm4b:s4+s8], $0xC, s13, s8, $0xb8;
	[tilespmem:$0x18B00] =	vst v63  }
0xcd: {  	s13 =	sld [smem:$0x7E3];
	s1 =	simm.s32 $0x17300  }
0xce: {  	[tilespmem:s1], [sflag:$0x2] =	stream.indirect.gather [hbm4b:s4+s8], $0xC, s14, s8, $0xb8;
	[tilespmem:$0x18B00] =	vst v63  }
0xcf: {  	s14 =	sld [smem:$0x7E4];
	s1 =	simm.s32 $0x17B00  }
0xd0: {  	[tilespmem:s1], [sflag:$0x2] =	stream.indirect.gather [hbm4b:s4+s8], $0xC, s13, s8, $0xb8;
	[tilespmem:$0x18B00] =	vst v63  }
0xd1: {  	s1 =	simm.s32 $0x18300  }
0xd2: {  	[tilespmem:s1], [sflag:$0x2] =	stream.indirect.gather [hbm4b:s4+s8], $0xC, s14, s8, $0xb8;
	[tilespmem:$0x18B00] =	vst v63  }
0xd3: {  	_ =	swait.ge [sflag:s11], $0x600  }
0xd4: {  	[sflag:s11] =	ssyncset.done $0x0  }
0xd5: {  	[sflag:s11] =	ssyncadd.s32 $0xFFFFFA00  }
0xd6: {  	_ =	swait.ge [sflag:s11], $0x600  }
0xd7: {  	[sflag:s11] =	ssyncset.done $0x0  }
0xd8: {  	[sflag:s11] =	ssyncadd.s32 $0xFFFFFA00  }
0xd9: {  	_ =	swait.ge [sflag:s11], $0x600  }
0xda: {  	[sflag:s11] =	ssyncset.done $0x0  }
0xdb: {  	[sflag:s11] =	ssyncadd.s32 $0xFFFFFA00  }
0xdc: {  	_ =	swait.ge [sflag:s11], $0x600  }
0xdd: {  	[sflag:s11] =	ssyncset.done $0x0  }
0xde: {  	[sflag:s11] =	ssyncadd.s32 $0xFFFFFA00  }
0xdf: {  	_ =	swait.ge [sflag:s11], $0x600  }
0xe0: {  	[sflag:s11] =	ssyncset.done $0x0  }
0xe1: {  	[sflag:s11] =	ssyncadd.s32 $0xFFFFFA00  }
0xe2: {  	_ =	swait.ge [sflag:s11], $0x600  }
0xe3: {  	[sflag:s11] =	ssyncset.done $0x0  }
0xe4: {  	[sflag:s11] =	ssyncadd.s32 $0xFFFFFA00  }
0xe5: {  	_ =	swait.ge [sflag:s11], $0x600  }
0xe6: {  	[sflag:s11] =	ssyncset.done $0x0  }
0xe7: {  	[sflag:s11] =	ssyncadd.s32 $0xFFFFFA00  }
0xe8: {  	_ =	swait.ge [sflag:s11], $0x600  }
0xe9: {  	[sflag:s11] =	ssyncset.done $0x0  }
0xea: {  	[sflag:s11] =	ssyncadd.s32 $0xFFFFFA00  }
0xeb: {  	_ =	swait.ge [sflag:s11], $0x600  }
0xec: {  	[sflag:s11] =	ssyncset.done $0x0  }
0xed: {  	[sflag:s11] =	ssyncadd.s32 $0xFFFFFA00  }
0xee: {  	_ =	swait.ge [sflag:s11], $0x600  }
0xef: {  	[sflag:s11] =	ssyncset.done $0x0  }
0xf0: {  	[sflag:s11] =	ssyncadd.s32 $0xFFFFFA00  }
0xf1: {  	_ =	swait.ge [sflag:s11], $0x600  }
0xf2: {  	[sflag:s11] =	ssyncset.done $0x0  }
0xf3: {  	[sflag:s11] =	ssyncadd.s32 $0xFFFFFA00  }
0xf4: {  	_ =	swait.ge [sflag:s11], $0x600  }
0xf5: {  	[sflag:s11] =	ssyncset.done $0x0  }
0xf6: {  	[sflag:s11] =	ssyncadd.s32 $0xFFFFFA00  }
0xf7: {  	_ =	swait.ge [sflag:s11], $0x600  }
0xf8: {  	[sflag:s11] =	ssyncset.done $0x0  }
0xf9: {  	[sflag:s11] =	ssyncadd.s32 $0xFFFFFA00  }
0xfa: {  	_ =	swait.ge [sflag:s11], $0x600  }
0xfb: {  	[sflag:s11] =	ssyncset.done $0x0  }
0xfc: {  	[sflag:s11] =	ssyncadd.s32 $0xFFFFFA00  }
0xfd: {  	_ =	swait.ge [sflag:s11], $0x600  }
0xfe: {  	[sflag:s11] =	ssyncset.done $0x0  }
0xff: {  	[sflag:s11] =	ssyncadd.s32 $0xFFFFFA00  }
0x100: {  	_ =	swait.ge [sflag:s11], $0x600  }
0x101: {  	[sflag:s11] =	ssyncset.done $0x0  }
0x102: {  	[sflag:s11] =	ssyncadd.s32 $0xFFFFFA00  }
0x103: {  	_ =	swait.ge [sflag:s11], $0x600  }
0x104: {  	[sflag:s11] =	ssyncset.done $0x0  }
0x105: {  	[sflag:s11] =	ssyncadd.s32 $0xFFFFFA00  }
0x106: {  	_ =	swait.ge [sflag:s11], $0x600  }
0x107: {  	[sflag:s11] =	ssyncset.done $0x0  }
0x108: {  	[sflag:s11] =	ssyncadd.s32 $0xFFFFFA00  }
0x109: {  	_ =	swait.ge [sflag:s11], $0x600  }
0x10a: {  	[sflag:s11] =	ssyncset.done $0x0  }
0x10b: {  	[sflag:s11] =	ssyncadd.s32 $0xFFFFFA00  }
0x10c: {  	_ =	swait.ge [sflag:s11], $0x600  }
0x10d: {  	[sflag:s11] =	ssyncset.done $0x0  }
0x10e: {  	s14 =	rddreg [dreg:$0x5];
	[sflag:s11] =	ssyncadd.s32 $0xFFFFFA00  }
0x10f: {  	[hbm4b:s14+s0] =	stream.linear.scatter [tilespmem:s18], [sflag:$0x3], $0xA000, $0x38;
	[tilespmem:$0x18B00] =	vst v63  }
0x110: {  	_ =	swait.ge [sflag:s6], $0xA000  }
0x111: {  	[sflag:s6] =	ssyncset.done $0x0  }
0x112: {  	[sflag:s6] =	ssyncadd.s32 $0xFFFF6000  }
0x113: {  	_ =	swait.ge [sflag:s12], $0x600  }
0x114: {  	[sflag:s12] =	ssyncset.done $0x0  }
0x115: {  	[sflag:s12] =	ssyncadd.s32 $0xFFFFFA00  }
0x116: {  	_ =	swait.ge [sflag:s12], $0x600  }
0x117: {  	[sflag:s12] =	ssyncset.done $0x0  }
0x118: {  	[sflag:s12] =	ssyncadd.s32 $0xFFFFFA00  }
0x119: {  	_ =	swait.ge [sflag:s12], $0x600  }
0x11a: {  	[sflag:s12] =	ssyncset.done $0x0  }
0x11b: {  	[sflag:s12] =	ssyncadd.s32 $0xFFFFFA00  }
0x11c: {  	_ =	swait.ge [sflag:s12], $0x600  }
0x11d: {  	[sflag:s12] =	ssyncset.done $0x0  }
0x11e: {  	[sflag:s12] =	ssyncadd.s32 $0xFFFFFA00  }
0x11f: {  	_ =	swait.ge [sflag:s12], $0x600  }
0x120: {  	[sflag:s12] =	ssyncset.done $0x0  }
0x121: {  	[sflag:s12] =	ssyncadd.s32 $0xFFFFFA00  }
0x122: {  	_ =	swait.ge [sflag:s12], $0x600  }
0x123: {  	[sflag:s12] =	ssyncset.done $0x0  }
0x124: {  	[sflag:s12] =	ssyncadd.s32 $0xFFFFFA00  }
0x125: {  	_ =	swait.ge [sflag:s12], $0x600  }
0x126: {  	[sflag:s12] =	ssyncset.done $0x0  }
0x127: {  	[sflag:s12] =	ssyncadd.s32 $0xFFFFFA00  }
0x128: {  	_ =	swait.ge [sflag:s12], $0x600  }
0x129: {  	[sflag:s12] =	ssyncset.done $0x0  }
0x12a: {  	[sflag:s12] =	ssyncadd.s32 $0xFFFFFA00  }
0x12b: {  	_ =	swait.ge [sflag:s12], $0x600  }
0x12c: {  	[sflag:s12] =	ssyncset.done $0x0  }
0x12d: {  	[sflag:s12] =	ssyncadd.s32 $0xFFFFFA00  }
0x12e: {  	_ =	swait.ge [sflag:s12], $0x600  }
0x12f: {  	[sflag:s12] =	ssyncset.done $0x0  }
0x130: {  	[sflag:s12] =	ssyncadd.s32 $0xFFFFFA00  }
0x131: {  	_ =	swait.ge [sflag:s12], $0x600  }
0x132: {  	[sflag:s12] =	ssyncset.done $0x0  }
0x133: {  	[sflag:s12] =	ssyncadd.s32 $0xFFFFFA00  }
0x134: {  	_ =	swait.ge [sflag:s12], $0x600  }
0x135: {  	[sflag:s12] =	ssyncset.done $0x0  }
0x136: {  	[sflag:s12] =	ssyncadd.s32 $0xFFFFFA00  }
0x137: {  	_ =	swait.ge [sflag:s12], $0x600  }
0x138: {  	[sflag:s12] =	ssyncset.done $0x0  }
0x139: {  	[sflag:s12] =	ssyncadd.s32 $0xFFFFFA00  }
0x13a: {  	_ =	swait.ge [sflag:s12], $0x600  }
0x13b: {  	[sflag:s12] =	ssyncset.done $0x0  }
0x13c: {  	[sflag:s12] =	ssyncadd.s32 $0xFFFFFA00  }
0x13d: {  	_ =	swait.ge [sflag:s12], $0x600  }
0x13e: {  	[sflag:s12] =	ssyncset.done $0x0  }
0x13f: {  	[sflag:s12] =	ssyncadd.s32 $0xFFFFFA00  }
0x140: {  	_ =	swait.ge [sflag:s12], $0x600  }
0x141: {  	[sflag:s12] =	ssyncset.done $0x0  }
0x142: {  	[sflag:s12] =	ssyncadd.s32 $0xFFFFFA00  }
0x143: {  	_ =	swait.ge [sflag:s12], $0x600  }
0x144: {  	[sflag:s12] =	ssyncset.done $0x0  }
0x145: {  	[sflag:s12] =	ssyncadd.s32 $0xFFFFFA00  }
0x146: {  	_ =	swait.ge [sflag:s12], $0x600  }
0x147: {  	[sflag:s12] =	ssyncset.done $0x0  }
0x148: {  	[sflag:s12] =	ssyncadd.s32 $0xFFFFFA00  }
0x149: {  	_ =	swait.ge [sflag:s12], $0x600  }
0x14a: {  	[sflag:s12] =	ssyncset.done $0x0  }
0x14b: {  	[sflag:s12] =	ssyncadd.s32 $0xFFFFFA00  }
0x14c: {  	_ =	swait.ge [sflag:s12], $0x600  }
0x14d: {  	[sflag:s12] =	ssyncset.done $0x0  }
0x14e: {  	[sflag:s12] =	ssyncadd.s32 $0xFFFFFA00  }
0x14f: {  	_ =	swait.ge [sflag:s12], $0x600  }
0x150: {  	[sflag:s12] =	ssyncset.done $0x0  }
0x151: {  	[sflag:s12] =	ssyncadd.s32 $0xFFFFFA00  }
0x152: {  	_ =	swait.ge [sflag:s12], $0x600  }
0x153: {  	[sflag:s12] =	ssyncset.done $0x0  }
0x154: {  	[sflag:s12] =	ssyncadd.s32 $0xFFFFFA00  }
0x155: {  	_ =	swait.ge [sflag:s12], $0x600  }
0x156: {  	[sflag:s12] =	ssyncset.done $0x0  }
0x157: {  	[sflag:s12] =	ssyncadd.s32 $0xFFFFFA00  }
0x158: {  	_ =	swait.ge [sflag:s12], $0x600  }
0x159: {  	[sflag:s12] =	ssyncset.done $0x0  }
0x15a: {  	[sflag:s12] =	ssyncadd.s32 $0xFFFFFA00  }
0x15b: {  	_ =	swait.ge [sflag:s12], $0x600  }
0x15c: {  	[sflag:s12] =	ssyncset.done $0x0  }
0x15d: {  	s14 =	rddreg [dreg:$0x6];
	[sflag:s12] =	ssyncadd.s32 $0xFFFFFA00  }
0x15e: {  	[hbm4b:s14+s0] =	stream.linear.scatter [tilespmem:s2], [sflag:$0x3], $0xC800, $0x38;
	[tilespmem:$0x18B00] =	vst v63  }
0x15f: {  	_ =	swait.ge [sflag:s6], $0xC800  }
0x160: {  	s13 =	sld [smem:$0x7E5]  }
0x161: {  	[sflag:s6] =	ssyncset.done $0x0  }
0x162: {  	s14 =	sld [smem:$0x7E6];
	[sflag:s6] =	ssyncadd.s32 $0xFFFF3800  }
0x163: {  	[tilespmem:s2], [sflag:$0x2] =	stream.indirect.gather [hbm4b:s4+s8], $0xC, s13, s8, $0xb8;
	[tilespmem:$0x18B00] =	vst v63  }
0x164: {  	s13 =	sld [smem:$0x7E7]  }
0x165: {  	[tilespmem:s15], [sflag:$0x2] =	stream.indirect.gather [hbm4b:s4+s8], $0xC, s14, s8, $0xb8;
	[tilespmem:$0x18B00] =	vst v63  }
0x166: {  	s14 =	sld [smem:$0x7E8]  }
0x167: {  	[tilespmem:s16], [sflag:$0x2] =	stream.indirect.gather [hbm4b:s4+s8], $0xC, s13, s8, $0xb8;
	[tilespmem:$0x18B00] =	vst v63  }
0x168: {  	s15 =	sld [smem:$0x7E9]  }
0x169: {  	[tilespmem:s17], [sflag:$0x2] =	stream.indirect.gather [hbm4b:s4+s8], $0xC, s14, s8, $0xb8;
	[tilespmem:$0x18B00] =	vst v63  }
0x16a: {  	s16 =	sld [smem:$0x7EA]  }
0x16b: {  	[tilespmem:s19], [sflag:$0x2] =	stream.indirect.gather [hbm4b:s4+s8], $0xC, s15, s8, $0xb8;
	[tilespmem:$0x18B00] =	vst v63  }
0x16c: {  	s17 =	sld [smem:$0x7EB]  }
0x16d: {  	[tilespmem:s20], [sflag:$0x2] =	stream.indirect.gather [hbm4b:s4+s8], $0xC, s16, s8, $0xb8;
	[tilespmem:$0x18B00] =	vst v63  }
0x16e: {  	s15 =	sld [smem:$0x7EC]  }
0x16f: {  	[tilespmem:s21], [sflag:$0x2] =	stream.indirect.gather [hbm4b:s4+s8], $0xC, s17, s8, $0xb8;
	[tilespmem:$0x18B00] =	vst v63  }
0x170: {  	s16 =	sld [smem:$0x7ED]  }
0x171: {  	[tilespmem:s22], [sflag:$0x2] =	stream.indirect.gather [hbm4b:s4+s8], $0xC, s15, s8, $0xb8;
	[tilespmem:$0x18B00] =	vst v63  }
0x172: {  	s17 =	sld [smem:$0x7EE]  }
0x173: {  	[tilespmem:s23], [sflag:$0x2] =	stream.indirect.gather [hbm4b:s4+s8], $0xC, s16, s8, $0xb8;
	[tilespmem:$0x18B00] =	vst v63  }
0x174: {  	s15 =	sld [smem:$0x7EF]  }
0x175: {  	[tilespmem:s24], [sflag:$0x2] =	stream.indirect.gather [hbm4b:s4+s8], $0xC, s17, s8, $0xb8;
	[tilespmem:$0x18B00] =	vst v63  }
0x176: {  	s16 =	sld [smem:$0x7F0]  }
0x177: {  	[tilespmem:s25], [sflag:$0x2] =	stream.indirect.gather [hbm4b:s4+s8], $0xC, s15, s8, $0xb8;
	[tilespmem:$0x18B00] =	vst v63  }
0x178: {  	s17 =	sld [smem:$0x7F1]  }
0x179: {  	[tilespmem:s26], [sflag:$0x2] =	stream.indirect.gather [hbm4b:s4+s8], $0xC, s16, s8, $0xb8;
	[tilespmem:$0x18B00] =	vst v63  }
0x17a: {  	s15 =	sld [smem:$0x7F2]  }
0x17b: {  	[tilespmem:s28], [sflag:$0x2] =	stream.indirect.gather [hbm4b:s4+s8], $0xC, s17, s8, $0xb8;
	[tilespmem:$0x18B00] =	vst v63  }
0x17c: {  	s16 =	sld [smem:$0x7F3]  }
0x17d: {  	[tilespmem:s29], [sflag:$0x2] =	stream.indirect.gather [hbm4b:s4+s8], $0xC, s15, s8, $0xb8;
	[tilespmem:$0x18B00] =	vst v63  }
0x17e: {  	s17 =	sld [smem:$0x7F4]  }
0x17f: {  	[tilespmem:s30], [sflag:$0x2] =	stream.indirect.gather [hbm4b:s4+s8], $0xC, s16, s8, $0xb8;
	[tilespmem:$0x18B00] =	vst v63  }
0x180: {  	s15 =	sld [smem:$0x7F5]  }
0x181: {  	[tilespmem:s31], [sflag:$0x2] =	stream.indirect.gather [hbm4b:s4+s8], $0xC, s17, s8, $0xb8;
	[tilespmem:$0x18B00] =	vst v63  }
0x182: {  	s14 =	sld [smem:$0x7F6];
	s16 =	simm.s32 $0x14300  }
0x183: {  	[tilespmem:s16], [sflag:$0x2] =	stream.indirect.gather [hbm4b:s4+s8], $0xC, s15, s8, $0xb8;
	[tilespmem:$0x18B00] =	vst v63  }
0x184: {  	s13 =	sld [smem:$0x7F7];
	s17 =	simm.s32 $0x14B00  }
0x185: {  	[tilespmem:s17], [sflag:$0x2] =	stream.indirect.gather [hbm4b:s4+s8], $0xC, s14, s8, $0xb8;
	[tilespmem:$0x18B00] =	vst v63  }
0x186: {  	s16 =	sld [smem:$0x7F8]  }
0x187: {  	[tilespmem:s7], [sflag:$0x2] =	stream.indirect.gather [hbm4b:s4+s8], $0xC, s13, s8, $0xb8;
	[tilespmem:$0x18B00] =	vst v63  }
0x188: {  	s17 =	sld [smem:$0x7F9]  }
0x189: {  	[tilespmem:s9], [sflag:$0x2] =	stream.indirect.gather [hbm4b:s4+s8], $0xC, s16, s8, $0xb8;
	[tilespmem:$0x18B00] =	vst v63  }
0x18a: {  	s7 =	sld [smem:$0x7FA]  }
0x18b: {  	[tilespmem:s10], [sflag:$0x2] =	stream.indirect.gather [hbm4b:s4+s8], $0xC, s17, s8, $0xb8;
	[tilespmem:$0x18B00] =	vst v63  }
0x18c: {  	s15 =	sld [smem:$0x7FB];
	s16 =	simm.s32 $0x16B00  }
0x18d: {  	[tilespmem:s16], [sflag:$0x2] =	stream.indirect.gather [hbm4b:s4+s8], $0xC, s7, s8, $0xb8;
	[tilespmem:$0x18B00] =	vst v63  }
0x18e: {  	s14 =	sld [smem:$0x7FC];
	s17 =	simm.s32 $0x17300  }
0x18f: {  	[tilespmem:s17], [sflag:$0x2] =	stream.indirect.gather [hbm4b:s4+s8], $0xC, s15, s8, $0xb8;
	[tilespmem:$0x18B00] =	vst v63  }
0x190: {  	s16 =	simm.s32 $0x17B00;
	s15 =	sld [smem:$0x7FD]  }
0x191: {  	[tilespmem:s16], [sflag:$0x2] =	stream.indirect.gather [hbm4b:s4+s8], $0xC, s14, s8, $0xb8;
	[tilespmem:$0x18B00] =	vst v63  }
0x192: {  	_ = 	snop  }
0x193: {  	[tilespmem:s1], [sflag:$0x2] =	stream.indirect.gather [hbm4b:s4+s8], $0xC, s15, s8, $0xb8;
	[tilespmem:$0x18B00] =	vst v63  }
0x194: {  	_ =	swait.ge [sflag:s12], $0x600  }
0x195: {  	[sflag:s12] =	ssyncset.done $0x0  }
0x196: {  	[sflag:s12] =	ssyncadd.s32 $0xFFFFFA00  }
0x197: {  	_ =	swait.ge [sflag:s12], $0x600  }
0x198: {  	[sflag:s12] =	ssyncset.done $0x0  }
0x199: {  	[sflag:s12] =	ssyncadd.s32 $0xFFFFFA00  }
0x19a: {  	_ =	swait.ge [sflag:s12], $0x600  }
0x19b: {  	[sflag:s12] =	ssyncset.done $0x0  }
0x19c: {  	[sflag:s12] =	ssyncadd.s32 $0xFFFFFA00  }
0x19d: {  	_ =	swait.ge [sflag:s12], $0x600  }
0x19e: {  	[sflag:s12] =	ssyncset.done $0x0  }
0x19f: {  	[sflag:s12] =	ssyncadd.s32 $0xFFFFFA00  }
0x1a0: {  	_ =	swait.ge [sflag:s12], $0x600  }
0x1a1: {  	[sflag:s12] =	ssyncset.done $0x0  }
0x1a2: {  	[sflag:s12] =	ssyncadd.s32 $0xFFFFFA00  }
0x1a3: {  	_ =	swait.ge [sflag:s12], $0x600  }
0x1a4: {  	[sflag:s12] =	ssyncset.done $0x0  }
0x1a5: {  	[sflag:s12] =	ssyncadd.s32 $0xFFFFFA00  }
0x1a6: {  	_ =	swait.ge [sflag:s12], $0x600  }
0x1a7: {  	[sflag:s12] =	ssyncset.done $0x0  }
0x1a8: {  	[sflag:s12] =	ssyncadd.s32 $0xFFFFFA00  }
0x1a9: {  	_ =	swait.ge [sflag:s12], $0x600  }
0x1aa: {  	[sflag:s12] =	ssyncset.done $0x0  }
0x1ab: {  	[sflag:s12] =	ssyncadd.s32 $0xFFFFFA00  }
0x1ac: {  	_ =	swait.ge [sflag:s12], $0x600  }
0x1ad: {  	[sflag:s12] =	ssyncset.done $0x0  }
0x1ae: {  	[sflag:s12] =	ssyncadd.s32 $0xFFFFFA00  }
0x1af: {  	_ =	swait.ge [sflag:s12], $0x600  }
0x1b0: {  	[sflag:s12] =	ssyncset.done $0x0  }
0x1b1: {  	[sflag:s12] =	ssyncadd.s32 $0xFFFFFA00  }
0x1b2: {  	_ =	swait.ge [sflag:s12], $0x600  }
0x1b3: {  	[sflag:s12] =	ssyncset.done $0x0  }
0x1b4: {  	[sflag:s12] =	ssyncadd.s32 $0xFFFFFA00  }
0x1b5: {  	_ =	swait.ge [sflag:s12], $0x600  }
0x1b6: {  	[sflag:s12] =	ssyncset.done $0x0  }
0x1b7: {  	[sflag:s12] =	ssyncadd.s32 $0xFFFFFA00  }
0x1b8: {  	_ =	swait.ge [sflag:s12], $0x600  }
0x1b9: {  	[sflag:s12] =	ssyncset.done $0x0  }
0x1ba: {  	[sflag:s12] =	ssyncadd.s32 $0xFFFFFA00  }
0x1bb: {  	_ =	swait.ge [sflag:s12], $0x600  }
0x1bc: {  	[sflag:s12] =	ssyncset.done $0x0  }
0x1bd: {  	[sflag:s12] =	ssyncadd.s32 $0xFFFFFA00  }
0x1be: {  	_ =	swait.ge [sflag:s12], $0x600  }
0x1bf: {  	[sflag:s12] =	ssyncset.done $0x0  }
0x1c0: {  	[sflag:s12] =	ssyncadd.s32 $0xFFFFFA00  }
0x1c1: {  	_ =	swait.ge [sflag:s12], $0x600  }
0x1c2: {  	[sflag:s12] =	ssyncset.done $0x0  }
0x1c3: {  	[sflag:s12] =	ssyncadd.s32 $0xFFFFFA00  }
0x1c4: {  	_ =	swait.ge [sflag:s12], $0x600  }
0x1c5: {  	[sflag:s12] =	ssyncset.done $0x0  }
0x1c6: {  	[sflag:s12] =	ssyncadd.s32 $0xFFFFFA00  }
0x1c7: {  	_ =	swait.ge [sflag:s12], $0x600  }
0x1c8: {  	[sflag:s12] =	ssyncset.done $0x0  }
0x1c9: {  	[sflag:s12] =	ssyncadd.s32 $0xFFFFFA00  }
0x1ca: {  	_ =	swait.ge [sflag:s12], $0x600  }
0x1cb: {  	[sflag:s12] =	ssyncset.done $0x0  }
0x1cc: {  	[sflag:s12] =	ssyncadd.s32 $0xFFFFFA00  }
0x1cd: {  	_ =	swait.ge [sflag:s12], $0x600  }
0x1ce: {  	[sflag:s12] =	ssyncset.done $0x0  }
0x1cf: {  	[sflag:s12] =	ssyncadd.s32 $0xFFFFFA00  }
0x1d0: {  	_ =	swait.ge [sflag:s12], $0x600  }
0x1d1: {  	[sflag:s12] =	ssyncset.done $0x0  }
0x1d2: {  	[sflag:s12] =	ssyncadd.s32 $0xFFFFFA00  }
0x1d3: {  	_ =	swait.ge [sflag:s12], $0x600  }
0x1d4: {  	[sflag:s12] =	ssyncset.done $0x0  }
0x1d5: {  	[sflag:s12] =	ssyncadd.s32 $0xFFFFFA00  }
0x1d6: {  	_ =	swait.ge [sflag:s12], $0x600  }
0x1d7: {  	[sflag:s12] =	ssyncset.done $0x0  }
0x1d8: {  	[sflag:s12] =	ssyncadd.s32 $0xFFFFFA00  }
0x1d9: {  	_ =	swait.ge [sflag:s12], $0x600  }
0x1da: {  	[sflag:s12] =	ssyncset.done $0x0  }
0x1db: {  	[sflag:s12] =	ssyncadd.s32 $0xFFFFFA00  }
0x1dc: {  	_ =	swait.ge [sflag:s12], $0x600  }
0x1dd: {  	p0 =	sne.s32 s5, $0x1;
	[sflag:s12] =	ssyncset.done $0x0  }
.Ltmp0:
0x1de: {  	s17 =	rddreg [dreg:$0x7];
	[sflag:s12] =	ssyncadd.s32 $0xFFFFFA00;
	(pc) =	sbr.rel @p0 .LBB2_1-.Ltmp0, $4  }
0x1df: {  	[hbm4b:s17+s0] =	stream.linear.scatter [tilespmem:s2], [sflag:$0x3], $0xC800, $0x38;
	[tilespmem:$0x18B00] =	vst v63  }
0x1e0: {  	_ =	swait.ge [sflag:s6], $0xC800  }
0x1e1: {  	[sflag:s6] =	ssyncset.done $0x0  }
0x1e2: {  	s5 =	sadd.s32 $0xFFFFFFFF, s5;
	[sflag:s6] =	ssyncadd.s32 $0xFFFF3800  }
0x1e3: {  	_ =	sfence.sel $0x180000  }
0x1e4: {  	[bflag:$0x0] =	sbarrier.arrive $0xFFFF  }
0x1e5: {  	_ =	strace $0x90000047  }
0x1e6: {  	s0 =	stileid.u32;
	[bflag:$0x2] =	sbarrier.arrive $0xFFFF  }
0x1e7: {  	p0 =	sne.s32 s0, $0x0;
	s0 =	rddreg [dreg:$0x2]  }
0x1e8: {  	s0 =	sadd.s32 @!p0 $0x100000, s0  }
0x1e9: {  	[sflag:s0] =	ssyncadd.tile.s32 @!p0 $0x1;
	_ =	shalt  }
.Lfunc_end2:
_tile_overlayer_lowered:
.L_overlay_start_2:
0x1ea: {  	(tag) =	ssettag $0x2  }
0x1eb: {  	s0 =	rddreg [dreg:$0x0];
	s2 =	stileid.u32  }
0x1ec: {  	s1 =	rddreg [dreg:$0x1];
	p0 =	sne.s32 s2, $0x0  }
0x1ed: {  	s3 =	rddreg [dreg:$0x2];
	[bflag:$0x3] =	sbarrier.arrive $0xFFFF;
	s2 =	simm.s32 @!p0 $0x1C03  }
0x1ee: {  	[timem:s3], [sflag:s2] =	dma.local @!p0 [hbm:s0], s1  }
0x1ef: {  	s0 =	simm.s32 @!p0 $0x3  }
0x1f0: {  	_ =	swait.ge @!p0 [sflag:s0], s1  }
0x1f1: {  	s1 =	ssub.s32 @!p0 $0x0, s1;
	[sflag:s0] =	ssyncset.done @!p0 $0x0  }
0x1f2: {  	[sflag:s0] =	ssyncadd.s32 @!p0 s1  }
0x1f3: {  	[bflag:$0x3] =	sbarrier.arrive $0xFFFF  }
0x1f4: {  	_ =	shalt  }

</sc_bundles>
